<compile_context>
chip_gen: v7x
topology: tpu7x:2x2x1
jax: 0.10.2.dev20260603
libtpu: 0.0.44.dev20260713+nightly
codegen_flags: <defaults>
</compile_context>

<pallas_src>
import jax
import jax.numpy as jnp
from jax import lax
from jax.experimental import pallas as pl
from jax.experimental.pallas import tpu as pltpu
from jax.experimental.pallas import tpu_sc as plsc

VOCAB = 1000
N_POS = 1024 * 50
NC, NS, L = 2, 16, 16
NW = NC * NS
PER_W = N_POS // NW
CHUNK = 40
N_CHUNKS = PER_W // CHUNK
QG = 80


def _lse_body(table_ref, lse_ref, tcopy_ref):
    t = table_ref[...]
    m = jnp.max(t, axis=1)
    s = jnp.sum(jnp.exp(t - m[:, None]), axis=1)
    lse_ref[...] = m + jnp.log(s)
    tcopy_ref[...] = t


def _finish_body(parts_ref, loss_ref):
    loss_ref[...] = jnp.sum(parts_ref[...], keepdims=True) * (1.0 / N_POS)


def _sc_body(table_hbm, tflat_hbm, idx_hbm, tgt_hbm, lse_hbm,
             out_hbm, part_hbm,
             idx_v, fidx_v, rows0, rows1, tv_v, lse_g_v, acc_v,
             gsem0, gsem1, wsem0, wsem1, lsem, lsem2):
    wid = lax.axis_index("s") * NC + lax.axis_index("c")
    base = wid * PER_W
    pltpu.sync_copy(idx_hbm.at[pl.ds(base, PER_W)], idx_v)
    pltpu.sync_copy(tgt_hbm.at[pl.ds(base, PER_W)], fidx_v)

    def fbody(i, _):
        sl = pl.ds(i * L, L)
        fidx_v[sl] = idx_v[sl] * VOCAB + fidx_v[sl]
        return 0

    lax.fori_loop(0, PER_W // L, fbody, 0)

    def tv_desc(t):
        sl = pl.ds(t * QG, QG)
        return pltpu.make_async_copy(
            tflat_hbm.at[fidx_v.at[sl]], tv_v.at[sl], lsem)

    def ls_desc(t):
        sl = pl.ds(t * QG, QG)
        return pltpu.make_async_copy(
            lse_hbm.at[idx_v.at[sl]], lse_g_v.at[sl], lsem2)

    for t in range(PER_W // QG):
        tv_desc(t).start()
        ls_desc(t).start()

    bufs = (rows0, rows1)
    gsems = (gsem0, gsem1)
    wsems = (wsem0, wsem1)

    def g_desc(g, b):
        return pltpu.make_async_copy(
            table_hbm.at[idx_v.at[pl.ds(g * CHUNK, CHUNK)]], bufs[b], gsems[b])

    def w_desc(g, b):
        return pltpu.make_async_copy(
            bufs[b], out_hbm.at[pl.ds(base + g * CHUNK, CHUNK)], wsems[b])

    g_desc(0, 0).start()
    g_desc(1, 1).start()
    g_desc(0, 0).wait()
    w_desc(0, 0).start()

    def pair(p, _):
        for k in (1, 2):
            g = 2 * p + k
            b = k % 2
            bp = 1 - b
            g_desc(g, b).wait()
            w_desc(g - 1, bp).wait()
            g_desc(g + 1, bp).start()
            w_desc(g, b).start()
        return 0

    lax.fori_loop(0, (N_CHUNKS - 2) // 2, pair, 0)

    last = N_CHUNKS - 1
    g_desc(last, 1).wait()
    w_desc(last - 1, 0).wait()
    w_desc(last, 1).start()
    w_desc(last, 1).wait()

    for t in range(PER_W // QG):
        tv_desc(t).wait()
        ls_desc(t).wait()

    def lbody(i, acc):
        sl = pl.ds(i * L, L)
        return acc + (lse_g_v[sl] - tv_v[sl])

    acc = lax.fori_loop(0, PER_W // L, lbody, jnp.zeros((L,), jnp.float32))
    acc_v[...] = acc
    pltpu.sync_copy(acc_v, part_hbm.at[wid])


def kernel(inputs, targets, table):
    B, Ln = inputs.shape
    idx_flat = inputs.reshape(-1)
    tgt_flat = targets.reshape(-1)

    lse, tcopy = pl.pallas_call(
        _lse_body,
        out_shape=(
            jax.ShapeDtypeStruct((VOCAB,), jnp.float32),
            jax.ShapeDtypeStruct((VOCAB, VOCAB), jnp.float32),
        ),
    )(table)
    table_flat = tcopy.reshape(-1)

    mesh = plsc.VectorSubcoreMesh(core_axis_name="c", subcore_axis_name="s")
    sc = pl.kernel(
        _sc_body,
        out_type=(
            jax.ShapeDtypeStruct((N_POS, VOCAB), jnp.float32),
            jax.ShapeDtypeStruct((NW, L), jnp.float32),
        ),
        mesh=mesh,
        compiler_params=pltpu.CompilerParams(use_tc_tiling_on_sc=False),
        scratch_types=[
            pltpu.VMEM((PER_W,), jnp.int32),
            pltpu.VMEM((PER_W,), jnp.int32),
            pltpu.VMEM((CHUNK, VOCAB), jnp.float32),
            pltpu.VMEM((CHUNK, VOCAB), jnp.float32),
            pltpu.VMEM((PER_W,), jnp.float32),
            pltpu.VMEM((PER_W,), jnp.float32),
            pltpu.VMEM((L,), jnp.float32),
            pltpu.SemaphoreType.DMA,
            pltpu.SemaphoreType.DMA,
            pltpu.SemaphoreType.DMA,
            pltpu.SemaphoreType.DMA,
            pltpu.SemaphoreType.DMA,
            pltpu.SemaphoreType.DMA,
        ],
    )
    logits_flat, parts = sc(table, table_flat, idx_flat, tgt_flat, lse)

    loss = pl.pallas_call(
        _finish_body,
        out_shape=jax.ShapeDtypeStruct((1, 1), jnp.float32),
    )(parts)[0, 0]

    return logits_flat.reshape(B, Ln, VOCAB), loss

# --- scband reference (transcript-rebuilt; emitter-appended) ---
"""Pipeline reference for scband-bigram-model-24172075942448 (READ-ONLY COPY).

The authoritative reference and input builder live on the scoring server;
editing this copy changes nothing except your own understanding.
"""

import jax, jax.numpy as jnp
import numpy as np

VOCAB = 1000
B = 1024
L = 50


def setup_inputs(seed: int = 0) -> dict:
    key = jax.random.key(seed)
    k1, k2, k3 = jax.random.split(key, 3)
    inputs = jax.random.randint(k1, (B, L), 0, VOCAB, dtype=jnp.int64 if jax.config.jax_enable_x64 else jnp.int32).astype(jnp.int32)
    targets = jax.random.randint(k2, (B, L), 0, VOCAB, dtype=jnp.int64 if jax.config.jax_enable_x64 else jnp.int32).astype(jnp.int32)
    table = jax.random.normal(k3, (VOCAB, VOCAB), dtype=jnp.float32)
    return {"inputs": inputs, "targets": targets, "table": table}


def reference(inputs, targets, table):
    # logits = self.embedding(inputs)
    logits = jnp.take(table, inputs, axis=0)  # [B, L, V]
    # cross_entropy with class dim as vocab (torch permute to [B, V, L] is
    # equivalent to computing softmax-CE over the last dim here, averaged
    # over all B*L positions)
    logp = jax.nn.log_softmax(logits, axis=-1)
    nll = -jnp.take_along_axis(logp, targets[..., None], axis=-1)[..., 0]
    loss = jnp.mean(nll)
    return (logits, loss)

if __name__ == "__main__":
    import jax
    _d = setup_inputs()
    print(jax.jit(kernel)(*tuple(_d.values())))

</pallas_src>

<mosaic_0001>
#map = affine_map<(d0, d1) -> (0, 0)>
#map1 = affine_map<(d0, d1) -> (0)>
module attributes {stable_mosaic.version = 14 : i64} {
  func.func @_sc_body(%arg0: i32, %arg1: i32, %arg2: memref<1000x1000xf32, #tpu.memory_space<hbm>>, %arg3: memref<1000000xf32, #tpu.memory_space<hbm>>, %arg4: memref<51200xi32, #tpu.memory_space<hbm>>, %arg5: memref<51200xi32, #tpu.memory_space<hbm>>, %arg6: memref<1000xf32, #tpu.memory_space<hbm>>, %arg7: memref<51200x1000xf32, #tpu.memory_space<hbm>>, %arg8: memref<32x50xf32, #tpu.memory_space<hbm>>, %arg9: memref<1600xi32, #tpu.memory_space<vmem>>, %arg10: memref<1600xi32, #tpu.memory_space<vmem>>, %arg11: memref<40x1000xf32, #tpu.memory_space<vmem>>, %arg12: memref<40x1000xf32, #tpu.memory_space<vmem>>, %arg13: memref<1600xf32, #tpu.memory_space<vmem>>, %arg14: memref<1600xf32, #tpu.memory_space<vmem>>, %arg15: memref<50xf32, #tpu.memory_space<vmem>>, %arg16: memref<!tpu.dma_semaphore, #tpu.memory_space<semaphore_mem>>, %arg17: memref<!tpu.dma_semaphore, #tpu.memory_space<semaphore_mem>>, %arg18: memref<!tpu.dma_semaphore, #tpu.memory_space<semaphore_mem>>, %arg19: memref<!tpu.dma_semaphore, #tpu.memory_space<semaphore_mem>>, %arg20: memref<!tpu.dma_semaphore, #tpu.memory_space<semaphore_mem>>, %arg21: memref<!tpu.dma_semaphore, #tpu.memory_space<semaphore_mem>>) attributes {dimension_semantics = [#tpu.dimension_semantics<core_parallel>, #tpu.dimension_semantics<subcore_parallel>], iteration_bounds = array<i64: 2, 16>, scalar_prefetch = 0 : i64, scratch_operands = 13 : i64, tpu.core_type = #tpu.core_type<sc_vector_subcore>, window_params = [{transform_indices = #map}, {transform_indices = #map1}, {transform_indices = #map1}, {transform_indices = #map1}, {transform_indices = #map1}, {transform_indices = #map}, {transform_indices = #map}]} {
    %mul3A = arith.constant 2 : i32
    %mul3A_0 = arith.muli %arg1, %mul3A : i32
    %add3A = arith.addi %mul3A_0, %arg0 : i32
    %mul3A_1 = arith.constant 1600 : i32
    %mul3A_2 = arith.muli %add3A, %mul3A_1 : i32
    "tpu.region"() ({
      %run_scoped3A = tpu.sem_alloc : memref<!tpu.dma_semaphore, #tpu.memory_space<semaphore_mem>>
      %dma_start3A_548 = tpu.memref_slice %arg4[%mul3A_2] : memref<51200xi32, #tpu.memory_space<hbm>> -> memref<1600xi32, #tpu.memory_space<hbm>>
      %dma_start3A_549 = tpu.memref_slice %arg4[%mul3A_2] : memref<51200xi32, #tpu.memory_space<hbm>> -> memref<1600xi32, #tpu.memory_space<hbm>>
      tpu.enqueue_dma source(%dma_start3A_549 : memref<1600xi32, #tpu.memory_space<hbm>>) target(%arg9 : memref<1600xi32, #tpu.memory_space<vmem>>) target_semaphore(%run_scoped3A : memref<!tpu.dma_semaphore, #tpu.memory_space<semaphore_mem>>)
      %dma_wait3A_550 = tpu.memref_slice %arg4[%mul3A_2] : memref<51200xi32, #tpu.memory_space<hbm>> -> memref<1600xi32, #tpu.memory_space<hbm>>
      %dma_wait3A_551 = tpu.memref_slice %arg4[%mul3A_2] : memref<51200xi32, #tpu.memory_space<hbm>> -> memref<1600xi32, #tpu.memory_space<hbm>>
      tpu.wait_dma2 semaphore(%run_scoped3A : memref<!tpu.dma_semaphore, #tpu.memory_space<semaphore_mem>>) src(%dma_wait3A_551 : memref<1600xi32, #tpu.memory_space<hbm>>) dst(%arg9 : memref<1600xi32, #tpu.memory_space<vmem>>)
      tpu.yield
    }) : () -> ()
    "tpu.region"() ({
      %run_scoped3A = tpu.sem_alloc : memref<!tpu.dma_semaphore, #tpu.memory_space<semaphore_mem>>
      %dma_start3A_548 = tpu.memref_slice %arg5[%mul3A_2] : memref<51200xi32, #tpu.memory_space<hbm>> -> memref<1600xi32, #tpu.memory_space<hbm>>
      %dma_start3A_549 = tpu.memref_slice %arg5[%mul3A_2] : memref<51200xi32, #tpu.memory_space<hbm>> -> memref<1600xi32, #tpu.memory_space<hbm>>
      tpu.enqueue_dma source(%dma_start3A_549 : memref<1600xi32, #tpu.memory_space<hbm>>) target(%arg10 : memref<1600xi32, #tpu.memory_space<vmem>>) target_semaphore(%run_scoped3A : memref<!tpu.dma_semaphore, #tpu.memory_space<semaphore_mem>>)
      %dma_wait3A_550 = tpu.memref_slice %arg5[%mul3A_2] : memref<51200xi32, #tpu.memory_space<hbm>> -> memref<1600xi32, #tpu.memory_space<hbm>>
      %dma_wait3A_551 = tpu.memref_slice %arg5[%mul3A_2] : memref<51200xi32, #tpu.memory_space<hbm>> -> memref<1600xi32, #tpu.memory_space<hbm>>
      tpu.wait_dma2 semaphore(%run_scoped3A : memref<!tpu.dma_semaphore, #tpu.memory_space<semaphore_mem>>) src(%dma_wait3A_551 : memref<1600xi32, #tpu.memory_space<hbm>>) dst(%arg10 : memref<1600xi32, #tpu.memory_space<vmem>>)
      tpu.yield
    }) : () -> ()
    %scan3A = arith.constant 0 : i32
    %scan3A_3 = arith.constant 0 : i32
    %scan3A_4 = arith.constant 32 : i32
    %scan3A_5 = arith.addi %scan3A_3, %scan3A_4 : i32
    %scan3A_6 = arith.constant 1 : i32
    %scan3A_7 = scf.for %scan3A_548 = %scan3A_3 to %scan3A_5 step %scan3A_6 iter_args(%scan3A_549 = %scan3A) -> (i32)  : i32 {
      %mul3A_550 = arith.constant 50 : i32
      %mul3A_551 = arith.muli %scan3A_548, %mul3A_550 : i32
      %get3A = arith.index_cast %mul3A_551 : i32 to index
      %get3A_552 = tpu.vector_load %arg9[%get3A] {strides = array<i32>} : memref<1600xi32, #tpu.memory_space<vmem>>, vector<50xi32>,
      %get3A_553 = vector.shape_cast %get3A_552 : vector<50xi32> to vector<50xi32>
      %mul3A_554 = arith.constant 1000 : i32
      %mul3A_555 = vector.broadcast %mul3A_554 : i32 to vector<50xi32>
      %mul3A_556 = arith.muli %get3A_553, %mul3A_555 : vector<50xi32>
      %get3A_557 = arith.index_cast %mul3A_551 : i32 to index
      %get3A_558 = tpu.vector_load %arg10[%get3A_557] {strides = array<i32>} : memref<1600xi32, #tpu.memory_space<vmem>>, vector<50xi32>,
      %get3A_559 = vector.shape_cast %get3A_558 : vector<50xi32> to vector<50xi32>
      %add3A_560 = arith.addi %mul3A_556, %get3A_559 : vector<50xi32>
      %swap3A_561 = arith.index_cast %mul3A_551 : i32 to index
      %swap3A_562 = tpu.vector_load %arg10[%swap3A_561] {strides = array<i32>} : memref<1600xi32, #tpu.memory_space<vmem>>, vector<50xi32>,
      %swap3A_563 = vector.shape_cast %swap3A_562 : vector<50xi32> to vector<50xi32>
      %swap3A_564 = vector.shape_cast %add3A_560 : vector<50xi32> to vector<50xi32>
      tpu.vector_store %arg10[%swap3A_561], %swap3A_564 {strides = array<i32>} : memref<1600xi32, #tpu.memory_space<vmem>>, vector<50xi32>,
      %scan3A_565 = arith.constant 0 : i32
      scf.yield %scan3A_565 : i32
    }
    %scan3A_8 = arith.constant 32 : i32
    %dma_start3A = arith.constant 0 : i32
    %dma_start3A_9 = tpu.memref_slice %arg13[%dma_start3A] : memref<1600xf32, #tpu.memory_space<vmem>> -> memref<80xf32, #tpu.memory_space<vmem>>
    %dma_start3A_10 = arith.constant 0 : i32
    %dma_start3A_11 = tpu.memref_slice %arg10[%dma_start3A_10] : memref<1600xi32, #tpu.memory_space<vmem>> -> memref<80xi32, #tpu.memory_space<vmem>>
    %dma_start3A_12 = arith.constant 0 : i32
    %dma_start3A_13 = tpu.memref_slice %arg3[%dma_start3A_12] : memref<1000000xf32, #tpu.memory_space<hbm>> -> memref<1000000xf32, #tpu.memory_space<hbm>>
    tpu.enqueue_indirect_dma source(%dma_start3A_13 : memref<1000000xf32, #tpu.memory_space<hbm>>) target(%dma_start3A_9 : memref<80xf32, #tpu.memory_space<vmem>>) offsets(%dma_start3A_11 : memref<80xi32, #tpu.memory_space<vmem>>) semaphore(%arg20 : memref<!tpu.dma_semaphore, #tpu.memory_space<semaphore_mem>>)
    %dma_start3A_14 = arith.constant 0 : i32
    %dma_start3A_15 = tpu.memref_slice %arg14[%dma_start3A_14] : memref<1600xf32, #tpu.memory_space<vmem>> -> memref<80xf32, #tpu.memory_space<vmem>>
    %dma_start3A_16 = arith.constant 0 : i32
    %dma_start3A_17 = tpu.memref_slice %arg9[%dma_start3A_16] : memref<1600xi32, #tpu.memory_space<vmem>> -> memref<80xi32, #tpu.memory_space<vmem>>
    %dma_start3A_18 = arith.constant 0 : i32
    %dma_start3A_19 = tpu.memref_slice %arg6[%dma_start3A_18] : memref<1000xf32, #tpu.memory_space<hbm>> -> memref<1000xf32, #tpu.memory_space<hbm>>
    tpu.enqueue_indirect_dma source(%dma_start3A_19 : memref<1000xf32, #tpu.memory_space<hbm>>) target(%dma_start3A_15 : memref<80xf32, #tpu.memory_space<vmem>>) offsets(%dma_start3A_17 : memref<80xi32, #tpu.memory_space<vmem>>) semaphore(%arg21 : memref<!tpu.dma_semaphore, #tpu.memory_space<semaphore_mem>>)
    %dma_start3A_20 = arith.constant 80 : i32
    %dma_start3A_21 = tpu.memref_slice %arg13[%dma_start3A_20] : memref<1600xf32, #tpu.memory_space<vmem>> -> memref<80xf32, #tpu.memory_space<vmem>>
    %dma_start3A_22 = arith.constant 80 : i32
    %dma_start3A_23 = tpu.memref_slice %arg10[%dma_start3A_22] : memref<1600xi32, #tpu.memory_space<vmem>> -> memref<80xi32, #tpu.memory_space<vmem>>
    %dma_start3A_24 = arith.constant 0 : i32
    %dma_start3A_25 = tpu.memref_slice %arg3[%dma_start3A_24] : memref<1000000xf32, #tpu.memory_space<hbm>> -> memref<1000000xf32, #tpu.memory_space<hbm>>
    tpu.enqueue_indirect_dma source(%dma_start3A_25 : memref<1000000xf32, #tpu.memory_space<hbm>>) target(%dma_start3A_21 : memref<80xf32, #tpu.memory_space<vmem>>) offsets(%dma_start3A_23 : memref<80xi32, #tpu.memory_space<vmem>>) semaphore(%arg20 : memref<!tpu.dma_semaphore, #tpu.memory_space<semaphore_mem>>)
    %dma_start3A_26 = arith.constant 80 : i32
    %dma_start3A_27 = tpu.memref_slice %arg14[%dma_start3A_26] : memref<1600xf32, #tpu.memory_space<vmem>> -> memref<80xf32, #tpu.memory_space<vmem>>
    %dma_start3A_28 = arith.constant 80 : i32
    %dma_start3A_29 = tpu.memref_slice %arg9[%dma_start3A_28] : memref<1600xi32, #tpu.memory_space<vmem>> -> memref<80xi32, #tpu.memory_space<vmem>>
    %dma_start3A_30 = arith.constant 0 : i32
    %dma_start3A_31 = tpu.memref_slice %arg6[%dma_start3A_30] : memref<1000xf32, #tpu.memory_space<hbm>> -> memref<1000xf32, #tpu.memory_space<hbm>>
    tpu.enqueue_indirect_dma source(%dma_start3A_31 : memref<1000xf32, #tpu.memory_space<hbm>>) target(%dma_start3A_27 : memref<80xf32, #tpu.memory_space<vmem>>) offsets(%dma_start3A_29 : memref<80xi32, #tpu.memory_space<vmem>>) semaphore(%arg21 : memref<!tpu.dma_semaphore, #tpu.memory_space<semaphore_mem>>)
    %dma_start3A_32 = arith.constant 160 : i32
    %dma_start3A_33 = tpu.memref_slice %arg13[%dma_start3A_32] : memref<1600xf32, #tpu.memory_space<vmem>> -> memref<80xf32, #tpu.memory_space<vmem>>
    %dma_start3A_34 = arith.constant 160 : i32
    %dma_start3A_35 = tpu.memref_slice %arg10[%dma_start3A_34] : memref<1600xi32, #tpu.memory_space<vmem>> -> memref<80xi32, #tpu.memory_space<vmem>>
    %dma_start3A_36 = arith.constant 0 : i32
    %dma_start3A_37 = tpu.memref_slice %arg3[%dma_start3A_36] : memref<1000000xf32, #tpu.memory_space<hbm>> -> memref<1000000xf32, #tpu.memory_space<hbm>>
    tpu.enqueue_indirect_dma source(%dma_start3A_37 : memref<1000000xf32, #tpu.memory_space<hbm>>) target(%dma_start3A_33 : memref<80xf32, #tpu.memory_space<vmem>>) offsets(%dma_start3A_35 : memref<80xi32, #tpu.memory_space<vmem>>) semaphore(%arg20 : memref<!tpu.dma_semaphore, #tpu.memory_space<semaphore_mem>>)
    %dma_start3A_38 = arith.constant 160 : i32
    %dma_start3A_39 = tpu.memref_slice %arg14[%dma_start3A_38] : memref<1600xf32, #tpu.memory_space<vmem>> -> memref<80xf32, #tpu.memory_space<vmem>>
    %dma_start3A_40 = arith.constant 160 : i32
    %dma_start3A_41 = tpu.memref_slice %arg9[%dma_start3A_40] : memref<1600xi32, #tpu.memory_space<vmem>> -> memref<80xi32, #tpu.memory_space<vmem>>
    %dma_start3A_42 = arith.constant 0 : i32
    %dma_start3A_43 = tpu.memref_slice %arg6[%dma_start3A_42] : memref<1000xf32, #tpu.memory_space<hbm>> -> memref<1000xf32, #tpu.memory_space<hbm>>
    tpu.enqueue_indirect_dma source(%dma_start3A_43 : memref<1000xf32, #tpu.memory_space<hbm>>) target(%dma_start3A_39 : memref<80xf32, #tpu.memory_space<vmem>>) offsets(%dma_start3A_41 : memref<80xi32, #tpu.memory_space<vmem>>) semaphore(%arg21 : memref<!tpu.dma_semaphore, #tpu.memory_space<semaphore_mem>>)
    %dma_start3A_44 = arith.constant 240 : i32
    %dma_start3A_45 = tpu.memref_slice %arg13[%dma_start3A_44] : memref<1600xf32, #tpu.memory_space<vmem>> -> memref<80xf32, #tpu.memory_space<vmem>>
    %dma_start3A_46 = arith.constant 240 : i32
    %dma_start3A_47 = tpu.memref_slice %arg10[%dma_start3A_46] : memref<1600xi32, #tpu.memory_space<vmem>> -> memref<80xi32, #tpu.memory_space<vmem>>
    %dma_start3A_48 = arith.constant 0 : i32
    %dma_start3A_49 = tpu.memref_slice %arg3[%dma_start3A_48] : memref<1000000xf32, #tpu.memory_space<hbm>> -> memref<1000000xf32, #tpu.memory_space<hbm>>
    tpu.enqueue_indirect_dma source(%dma_start3A_49 : memref<1000000xf32, #tpu.memory_space<hbm>>) target(%dma_start3A_45 : memref<80xf32, #tpu.memory_space<vmem>>) offsets(%dma_start3A_47 : memref<80xi32, #tpu.memory_space<vmem>>) semaphore(%arg20 : memref<!tpu.dma_semaphore, #tpu.memory_space<semaphore_mem>>)
    %dma_start3A_50 = arith.constant 240 : i32
    %dma_start3A_51 = tpu.memref_slice %arg14[%dma_start3A_50] : memref<1600xf32, #tpu.memory_space<vmem>> -> memref<80xf32, #tpu.memory_space<vmem>>
    %dma_start3A_52 = arith.constant 240 : i32
    %dma_start3A_53 = tpu.memref_slice %arg9[%dma_start3A_52] : memref<1600xi32, #tpu.memory_space<vmem>> -> memref<80xi32, #tpu.memory_space<vmem>>
    %dma_start3A_54 = arith.constant 0 : i32
    %dma_start3A_55 = tpu.memref_slice %arg6[%dma_start3A_54] : memref<1000xf32, #tpu.memory_space<hbm>> -> memref<1000xf32, #tpu.memory_space<hbm>>
    tpu.enqueue_indirect_dma source(%dma_start3A_55 : memref<1000xf32, #tpu.memory_space<hbm>>) target(%dma_start3A_51 : memref<80xf32, #tpu.memory_space<vmem>>) offsets(%dma_start3A_53 : memref<80xi32, #tpu.memory_space<vmem>>) semaphore(%arg21 : memref<!tpu.dma_semaphore, #tpu.memory_space<semaphore_mem>>)
    %dma_start3A_56 = arith.constant 320 : i32
    %dma_start3A_57 = tpu.memref_slice %arg13[%dma_start3A_56] : memref<1600xf32, #tpu.memory_space<vmem>> -> memref<80xf32, #tpu.memory_space<vmem>>
    %dma_start3A_58 = arith.constant 320 : i32
    %dma_start3A_59 = tpu.memref_slice %arg10[%dma_start3A_58] : memref<1600xi32, #tpu.memory_space<vmem>> -> memref<80xi32, #tpu.memory_space<vmem>>
    %dma_start3A_60 = arith.constant 0 : i32
    %dma_start3A_61 = tpu.memref_slice %arg3[%dma_start3A_60] : memref<1000000xf32, #tpu.memory_space<hbm>> -> memref<1000000xf32, #tpu.memory_space<hbm>>
    tpu.enqueue_indirect_dma source(%dma_start3A_61 : memref<1000000xf32, #tpu.memory_space<hbm>>) target(%dma_start3A_57 : memref<80xf32, #tpu.memory_space<vmem>>) offsets(%dma_start3A_59 : memref<80xi32, #tpu.memory_space<vmem>>) semaphore(%arg20 : memref<!tpu.dma_semaphore, #tpu.memory_space<semaphore_mem>>)
    %dma_start3A_62 = arith.constant 320 : i32
    %dma_start3A_63 = tpu.memref_slice %arg14[%dma_start3A_62] : memref<1600xf32, #tpu.memory_space<vmem>> -> memref<80xf32, #tpu.memory_space<vmem>>
    %dma_start3A_64 = arith.constant 320 : i32
    %dma_start3A_65 = tpu.memref_slice %arg9[%dma_start3A_64] : memref<1600xi32, #tpu.memory_space<vmem>> -> memref<80xi32, #tpu.memory_space<vmem>>
    %dma_start3A_66 = arith.constant 0 : i32
    %dma_start3A_67 = tpu.memref_slice %arg6[%dma_start3A_66] : memref<1000xf32, #tpu.memory_space<hbm>> -> memref<1000xf32, #tpu.memory_space<hbm>>
    tpu.enqueue_indirect_dma source(%dma_start3A_67 : memref<1000xf32, #tpu.memory_space<hbm>>) target(%dma_start3A_63 : memref<80xf32, #tpu.memory_space<vmem>>) offsets(%dma_start3A_65 : memref<80xi32, #tpu.memory_space<vmem>>) semaphore(%arg21 : memref<!tpu.dma_semaphore, #tpu.memory_space<semaphore_mem>>)
    %dma_start3A_68 = arith.constant 400 : i32
    %dma_start3A_69 = tpu.memref_slice %arg13[%dma_start3A_68] : memref<1600xf32, #tpu.memory_space<vmem>> -> memref<80xf32, #tpu.memory_space<vmem>>
    %dma_start3A_70 = arith.constant 400 : i32
    %dma_start3A_71 = tpu.memref_slice %arg10[%dma_start3A_70] : memref<1600xi32, #tpu.memory_space<vmem>> -> memref<80xi32, #tpu.memory_space<vmem>>
    %dma_start3A_72 = arith.constant 0 : i32
    %dma_start3A_73 = tpu.memref_slice %arg3[%dma_start3A_72] : memref<1000000xf32, #tpu.memory_space<hbm>> -> memref<1000000xf32, #tpu.memory_space<hbm>>
    tpu.enqueue_indirect_dma source(%dma_start3A_73 : memref<1000000xf32, #tpu.memory_space<hbm>>) target(%dma_start3A_69 : memref<80xf32, #tpu.memory_space<vmem>>) offsets(%dma_start3A_71 : memref<80xi32, #tpu.memory_space<vmem>>) semaphore(%arg20 : memref<!tpu.dma_semaphore, #tpu.memory_space<semaphore_mem>>)
    %dma_start3A_74 = arith.constant 400 : i32
    %dma_start3A_75 = tpu.memref_slice %arg14[%dma_start3A_74] : memref<1600xf32, #tpu.memory_space<vmem>> -> memref<80xf32, #tpu.memory_space<vmem>>
    %dma_start3A_76 = arith.constant 400 : i32
    %dma_start3A_77 = tpu.memref_slice %arg9[%dma_start3A_76] : memref<1600xi32, #tpu.memory_space<vmem>> -> memref<80xi32, #tpu.memory_space<vmem>>
    %dma_start3A_78 = arith.constant 0 : i32
    %dma_start3A_79 = tpu.memref_slice %arg6[%dma_start3A_78] : memref<1000xf32, #tpu.memory_space<hbm>> -> memref<1000xf32, #tpu.memory_space<hbm>>
    tpu.enqueue_indirect_dma source(%dma_start3A_79 : memref<1000xf32, #tpu.memory_space<hbm>>) target(%dma_start3A_75 : memref<80xf32, #tpu.memory_space<vmem>>) offsets(%dma_start3A_77 : memref<80xi32, #tpu.memory_space<vmem>>) semaphore(%arg21 : memref<!tpu.dma_semaphore, #tpu.memory_space<semaphore_mem>>)
    %dma_start3A_80 = arith.constant 480 : i32
    %dma_start3A_81 = tpu.memref_slice %arg13[%dma_start3A_80] : memref<1600xf32, #tpu.memory_space<vmem>> -> memref<80xf32, #tpu.memory_space<vmem>>
    %dma_start3A_82 = arith.constant 480 : i32
    %dma_start3A_83 = tpu.memref_slice %arg10[%dma_start3A_82] : memref<1600xi32, #tpu.memory_space<vmem>> -> memref<80xi32, #tpu.memory_space<vmem>>
    %dma_start3A_84 = arith.constant 0 : i32
    %dma_start3A_85 = tpu.memref_slice %arg3[%dma_start3A_84] : memref<1000000xf32, #tpu.memory_space<hbm>> -> memref<1000000xf32, #tpu.memory_space<hbm>>
    tpu.enqueue_indirect_dma source(%dma_start3A_85 : memref<1000000xf32, #tpu.memory_space<hbm>>) target(%dma_start3A_81 : memref<80xf32, #tpu.memory_space<vmem>>) offsets(%dma_start3A_83 : memref<80xi32, #tpu.memory_space<vmem>>) semaphore(%arg20 : memref<!tpu.dma_semaphore, #tpu.memory_space<semaphore_mem>>)
    %dma_start3A_86 = arith.constant 480 : i32
    %dma_start3A_87 = tpu.memref_slice %arg14[%dma_start3A_86] : memref<1600xf32, #tpu.memory_space<vmem>> -> memref<80xf32, #tpu.memory_space<vmem>>
    %dma_start3A_88 = arith.constant 480 : i32
    %dma_start3A_89 = tpu.memref_slice %arg9[%dma_start3A_88] : memref<1600xi32, #tpu.memory_space<vmem>> -> memref<80xi32, #tpu.memory_space<vmem>>
    %dma_start3A_90 = arith.constant 0 : i32
    %dma_start3A_91 = tpu.memref_slice %arg6[%dma_start3A_90] : memref<1000xf32, #tpu.memory_space<hbm>> -> memref<1000xf32, #tpu.memory_space<hbm>>
    tpu.enqueue_indirect_dma source(%dma_start3A_91 : memref<1000xf32, #tpu.memory_space<hbm>>) target(%dma_start3A_87 : memref<80xf32, #tpu.memory_space<vmem>>) offsets(%dma_start3A_89 : memref<80xi32, #tpu.memory_space<vmem>>) semaphore(%arg21 : memref<!tpu.dma_semaphore, #tpu.memory_space<semaphore_mem>>)
    %dma_start3A_92 = arith.constant 560 : i32
    %dma_start3A_93 = tpu.memref_slice %arg13[%dma_start3A_92] : memref<1600xf32, #tpu.memory_space<vmem>> -> memref<80xf32, #tpu.memory_space<vmem>>
    %dma_start3A_94 = arith.constant 560 : i32
    %dma_start3A_95 = tpu.memref_slice %arg10[%dma_start3A_94] : memref<1600xi32, #tpu.memory_space<vmem>> -> memref<80xi32, #tpu.memory_space<vmem>>
    %dma_start3A_96 = arith.constant 0 : i32
    %dma_start3A_97 = tpu.memref_slice %arg3[%dma_start3A_96] : memref<1000000xf32, #tpu.memory_space<hbm>> -> memref<1000000xf32, #tpu.memory_space<hbm>>
    tpu.enqueue_indirect_dma source(%dma_start3A_97 : memref<1000000xf32, #tpu.memory_space<hbm>>) target(%dma_start3A_93 : memref<80xf32, #tpu.memory_space<vmem>>) offsets(%dma_start3A_95 : memref<80xi32, #tpu.memory_space<vmem>>) semaphore(%arg20 : memref<!tpu.dma_semaphore, #tpu.memory_space<semaphore_mem>>)
    %dma_start3A_98 = arith.constant 560 : i32
    %dma_start3A_99 = tpu.memref_slice %arg14[%dma_start3A_98] : memref<1600xf32, #tpu.memory_space<vmem>> -> memref<80xf32, #tpu.memory_space<vmem>>
    %dma_start3A_100 = arith.constant 560 : i32
    %dma_start3A_101 = tpu.memref_slice %arg9[%dma_start3A_100] : memref<1600xi32, #tpu.memory_space<vmem>> -> memref<80xi32, #tpu.memory_space<vmem>>
    %dma_start3A_102 = arith.constant 0 : i32
    %dma_start3A_103 = tpu.memref_slice %arg6[%dma_start3A_102] : memref<1000xf32, #tpu.memory_space<hbm>> -> memref<1000xf32, #tpu.memory_space<hbm>>
    tpu.enqueue_indirect_dma source(%dma_start3A_103 : memref<1000xf32, #tpu.memory_space<hbm>>) target(%dma_start3A_99 : memref<80xf32, #tpu.memory_space<vmem>>) offsets(%dma_start3A_101 : memref<80xi32, #tpu.memory_space<vmem>>) semaphore(%arg21 : memref<!tpu.dma_semaphore, #tpu.memory_space<semaphore_mem>>)
    %dma_start3A_104 = arith.constant 640 : i32
    %dma_start3A_105 = tpu.memref_slice %arg13[%dma_start3A_104] : memref<1600xf32, #tpu.memory_space<vmem>> -> memref<80xf32, #tpu.memory_space<vmem>>
    %dma_start3A_106 = arith.constant 640 : i32
    %dma_start3A_107 = tpu.memref_slice %arg10[%dma_start3A_106] : memref<1600xi32, #tpu.memory_space<vmem>> -> memref<80xi32, #tpu.memory_space<vmem>>
    %dma_start3A_108 = arith.constant 0 : i32
    %dma_start3A_109 = tpu.memref_slice %arg3[%dma_start3A_108] : memref<1000000xf32, #tpu.memory_space<hbm>> -> memref<1000000xf32, #tpu.memory_space<hbm>>
    tpu.enqueue_indirect_dma source(%dma_start3A_109 : memref<1000000xf32, #tpu.memory_space<hbm>>) target(%dma_start3A_105 : memref<80xf32, #tpu.memory_space<vmem>>) offsets(%dma_start3A_107 : memref<80xi32, #tpu.memory_space<vmem>>) semaphore(%arg20 : memref<!tpu.dma_semaphore, #tpu.memory_space<semaphore_mem>>)
    %dma_start3A_110 = arith.constant 640 : i32
    %dma_start3A_111 = tpu.memref_slice %arg14[%dma_start3A_110] : memref<1600xf32, #tpu.memory_space<vmem>> -> memref<80xf32, #tpu.memory_space<vmem>>
    %dma_start3A_112 = arith.constant 640 : i32
    %dma_start3A_113 = tpu.memref_slice %arg9[%dma_start3A_112] : memref<1600xi32, #tpu.memory_space<vmem>> -> memref<80xi32, #tpu.memory_space<vmem>>
    %dma_start3A_114 = arith.constant 0 : i32
    %dma_start3A_115 = tpu.memref_slice %arg6[%dma_start3A_114] : memref<1000xf32, #tpu.memory_space<hbm>> -> memref<1000xf32, #tpu.memory_space<hbm>>
    tpu.enqueue_indirect_dma source(%dma_start3A_115 : memref<1000xf32, #tpu.memory_space<hbm>>) target(%dma_start3A_111 : memref<80xf32, #tpu.memory_space<vmem>>) offsets(%dma_start3A_113 : memref<80xi32, #tpu.memory_space<vmem>>) semaphore(%arg21 : memref<!tpu.dma_semaphore, #tpu.memory_space<semaphore_mem>>)
    %dma_start3A_116 = arith.constant 720 : i32
    %dma_start3A_117 = tpu.memref_slice %arg13[%dma_start3A_116] : memref<1600xf32, #tpu.memory_space<vmem>> -> memref<80xf32, #tpu.memory_space<vmem>>
    %dma_start3A_118 = arith.constant 720 : i32
    %dma_start3A_119 = tpu.memref_slice %arg10[%dma_start3A_118] : memref<1600xi32, #tpu.memory_space<vmem>> -> memref<80xi32, #tpu.memory_space<vmem>>
    %dma_start3A_120 = arith.constant 0 : i32
    %dma_start3A_121 = tpu.memref_slice %arg3[%dma_start3A_120] : memref<1000000xf32, #tpu.memory_space<hbm>> -> memref<1000000xf32, #tpu.memory_space<hbm>>
    tpu.enqueue_indirect_dma source(%dma_start3A_121 : memref<1000000xf32, #tpu.memory_space<hbm>>) target(%dma_start3A_117 : memref<80xf32, #tpu.memory_space<vmem>>) offsets(%dma_start3A_119 : memref<80xi32, #tpu.memory_space<vmem>>) semaphore(%arg20 : memref<!tpu.dma_semaphore, #tpu.memory_space<semaphore_mem>>)
    %dma_start3A_122 = arith.constant 720 : i32
    %dma_start3A_123 = tpu.memref_slice %arg14[%dma_start3A_122] : memref<1600xf32, #tpu.memory_space<vmem>> -> memref<80xf32, #tpu.memory_space<vmem>>
    %dma_start3A_124 = arith.constant 720 : i32
    %dma_start3A_125 = tpu.memref_slice %arg9[%dma_start3A_124] : memref<1600xi32, #tpu.memory_space<vmem>> -> memref<80xi32, #tpu.memory_space<vmem>>
    %dma_start3A_126 = arith.constant 0 : i32
    %dma_start3A_127 = tpu.memref_slice %arg6[%dma_start3A_126] : memref<1000xf32, #tpu.memory_space<hbm>> -> memref<1000xf32, #tpu.memory_space<hbm>>
    tpu.enqueue_indirect_dma source(%dma_start3A_127 : memref<1000xf32, #tpu.memory_space<hbm>>) target(%dma_start3A_123 : memref<80xf32, #tpu.memory_space<vmem>>) offsets(%dma_start3A_125 : memref<80xi32, #tpu.memory_space<vmem>>) semaphore(%arg21 : memref<!tpu.dma_semaphore, #tpu.memory_space<semaphore_mem>>)
    %dma_start3A_128 = arith.constant 800 : i32
    %dma_start3A_129 = tpu.memref_slice %arg13[%dma_start3A_128] : memref<1600xf32, #tpu.memory_space<vmem>> -> memref<80xf32, #tpu.memory_space<vmem>>
    %dma_start3A_130 = arith.constant 800 : i32
    %dma_start3A_131 = tpu.memref_slice %arg10[%dma_start3A_130] : memref<1600xi32, #tpu.memory_space<vmem>> -> memref<80xi32, #tpu.memory_space<vmem>>
    %dma_start3A_132 = arith.constant 0 : i32
    %dma_start3A_133 = tpu.memref_slice %arg3[%dma_start3A_132] : memref<1000000xf32, #tpu.memory_space<hbm>> -> memref<1000000xf32, #tpu.memory_space<hbm>>
    tpu.enqueue_indirect_dma source(%dma_start3A_133 : memref<1000000xf32, #tpu.memory_space<hbm>>) target(%dma_start3A_129 : memref<80xf32, #tpu.memory_space<vmem>>) offsets(%dma_start3A_131 : memref<80xi32, #tpu.memory_space<vmem>>) semaphore(%arg20 : memref<!tpu.dma_semaphore, #tpu.memory_space<semaphore_mem>>)
    %dma_start3A_134 = arith.constant 800 : i32
    %dma_start3A_135 = tpu.memref_slice %arg14[%dma_start3A_134] : memref<1600xf32, #tpu.memory_space<vmem>> -> memref<80xf32, #tpu.memory_space<vmem>>
    %dma_start3A_136 = arith.constant 800 : i32
    %dma_start3A_137 = tpu.memref_slice %arg9[%dma_start3A_136] : memref<1600xi32, #tpu.memory_space<vmem>> -> memref<80xi32, #tpu.memory_space<vmem>>
    %dma_start3A_138 = arith.constant 0 : i32
    %dma_start3A_139 = tpu.memref_slice %arg6[%dma_start3A_138] : memref<1000xf32, #tpu.memory_space<hbm>> -> memref<1000xf32, #tpu.memory_space<hbm>>
    tpu.enqueue_indirect_dma source(%dma_start3A_139 : memref<1000xf32, #tpu.memory_space<hbm>>) target(%dma_start3A_135 : memref<80xf32, #tpu.memory_space<vmem>>) offsets(%dma_start3A_137 : memref<80xi32, #tpu.memory_space<vmem>>) semaphore(%arg21 : memref<!tpu.dma_semaphore, #tpu.memory_space<semaphore_mem>>)
    %dma_start3A_140 = arith.constant 880 : i32
    %dma_start3A_141 = tpu.memref_slice %arg13[%dma_start3A_140] : memref<1600xf32, #tpu.memory_space<vmem>> -> memref<80xf32, #tpu.memory_space<vmem>>
    %dma_start3A_142 = arith.constant 880 : i32
    %dma_start3A_143 = tpu.memref_slice %arg10[%dma_start3A_142] : memref<1600xi32, #tpu.memory_space<vmem>> -> memref<80xi32, #tpu.memory_space<vmem>>
    %dma_start3A_144 = arith.constant 0 : i32
    %dma_start3A_145 = tpu.memref_slice %arg3[%dma_start3A_144] : memref<1000000xf32, #tpu.memory_space<hbm>> -> memref<1000000xf32, #tpu.memory_space<hbm>>
    tpu.enqueue_indirect_dma source(%dma_start3A_145 : memref<1000000xf32, #tpu.memory_space<hbm>>) target(%dma_start3A_141 : memref<80xf32, #tpu.memory_space<vmem>>) offsets(%dma_start3A_143 : memref<80xi32, #tpu.memory_space<vmem>>) semaphore(%arg20 : memref<!tpu.dma_semaphore, #tpu.memory_space<semaphore_mem>>)
    %dma_start3A_146 = arith.constant 880 : i32
    %dma_start3A_147 = tpu.memref_slice %arg14[%dma_start3A_146] : memref<1600xf32, #tpu.memory_space<vmem>> -> memref<80xf32, #tpu.memory_space<vmem>>
    %dma_start3A_148 = arith.constant 880 : i32
    %dma_start3A_149 = tpu.memref_slice %arg9[%dma_start3A_148] : memref<1600xi32, #tpu.memory_space<vmem>> -> memref<80xi32, #tpu.memory_space<vmem>>
    %dma_start3A_150 = arith.constant 0 : i32
    %dma_start3A_151 = tpu.memref_slice %arg6[%dma_start3A_150] : memref<1000xf32, #tpu.memory_space<hbm>> -> memref<1000xf32, #tpu.memory_space<hbm>>
    tpu.enqueue_indirect_dma source(%dma_start3A_151 : memref<1000xf32, #tpu.memory_space<hbm>>) target(%dma_start3A_147 : memref<80xf32, #tpu.memory_space<vmem>>) offsets(%dma_start3A_149 : memref<80xi32, #tpu.memory_space<vmem>>) semaphore(%arg21 : memref<!tpu.dma_semaphore, #tpu.memory_space<semaphore_mem>>)
    %dma_start3A_152 = arith.constant 960 : i32
    %dma_start3A_153 = tpu.memref_slice %arg13[%dma_start3A_152] : memref<1600xf32, #tpu.memory_space<vmem>> -> memref<80xf32, #tpu.memory_space<vmem>>
    %dma_start3A_154 = arith.constant 960 : i32
    %dma_start3A_155 = tpu.memref_slice %arg10[%dma_start3A_154] : memref<1600xi32, #tpu.memory_space<vmem>> -> memref<80xi32, #tpu.memory_space<vmem>>
    %dma_start3A_156 = arith.constant 0 : i32
    %dma_start3A_157 = tpu.memref_slice %arg3[%dma_start3A_156] : memref<1000000xf32, #tpu.memory_space<hbm>> -> memref<1000000xf32, #tpu.memory_space<hbm>>
    tpu.enqueue_indirect_dma source(%dma_start3A_157 : memref<1000000xf32, #tpu.memory_space<hbm>>) target(%dma_start3A_153 : memref<80xf32, #tpu.memory_space<vmem>>) offsets(%dma_start3A_155 : memref<80xi32, #tpu.memory_space<vmem>>) semaphore(%arg20 : memref<!tpu.dma_semaphore, #tpu.memory_space<semaphore_mem>>)
    %dma_start3A_158 = arith.constant 960 : i32
    %dma_start3A_159 = tpu.memref_slice %arg14[%dma_start3A_158] : memref<1600xf32, #tpu.memory_space<vmem>> -> memref<80xf32, #tpu.memory_space<vmem>>
    %dma_start3A_160 = arith.constant 960 : i32
    %dma_start3A_161 = tpu.memref_slice %arg9[%dma_start3A_160] : memref<1600xi32, #tpu.memory_space<vmem>> -> memref<80xi32, #tpu.memory_space<vmem>>
    %dma_start3A_162 = arith.constant 0 : i32
    %dma_start3A_163 = tpu.memref_slice %arg6[%dma_start3A_162] : memref<1000xf32, #tpu.memory_space<hbm>> -> memref<1000xf32, #tpu.memory_space<hbm>>
    tpu.enqueue_indirect_dma source(%dma_start3A_163 : memref<1000xf32, #tpu.memory_space<hbm>>) target(%dma_start3A_159 : memref<80xf32, #tpu.memory_space<vmem>>) offsets(%dma_start3A_161 : memref<80xi32, #tpu.memory_space<vmem>>) semaphore(%arg21 : memref<!tpu.dma_semaphore, #tpu.memory_space<semaphore_mem>>)
    %dma_start3A_164 = arith.constant 1040 : i32
    %dma_start3A_165 = tpu.memref_slice %arg13[%dma_start3A_164] : memref<1600xf32, #tpu.memory_space<vmem>> -> memref<80xf32, #tpu.memory_space<vmem>>
    %dma_start3A_166 = arith.constant 1040 : i32
    %dma_start3A_167 = tpu.memref_slice %arg10[%dma_start3A_166] : memref<1600xi32, #tpu.memory_space<vmem>> -> memref<80xi32, #tpu.memory_space<vmem>>
    %dma_start3A_168 = arith.constant 0 : i32
    %dma_start3A_169 = tpu.memref_slice %arg3[%dma_start3A_168] : memref<1000000xf32, #tpu.memory_space<hbm>> -> memref<1000000xf32, #tpu.memory_space<hbm>>
    tpu.enqueue_indirect_dma source(%dma_start3A_169 : memref<1000000xf32, #tpu.memory_space<hbm>>) target(%dma_start3A_165 : memref<80xf32, #tpu.memory_space<vmem>>) offsets(%dma_start3A_167 : memref<80xi32, #tpu.memory_space<vmem>>) semaphore(%arg20 : memref<!tpu.dma_semaphore, #tpu.memory_space<semaphore_mem>>)
    %dma_start3A_170 = arith.constant 1040 : i32
    %dma_start3A_171 = tpu.memref_slice %arg14[%dma_start3A_170] : memref<1600xf32, #tpu.memory_space<vmem>> -> memref<80xf32, #tpu.memory_space<vmem>>
    %dma_start3A_172 = arith.constant 1040 : i32
    %dma_start3A_173 = tpu.memref_slice %arg9[%dma_start3A_172] : memref<1600xi32, #tpu.memory_space<vmem>> -> memref<80xi32, #tpu.memory_space<vmem>>
    %dma_start3A_174 = arith.constant 0 : i32
    %dma_start3A_175 = tpu.memref_slice %arg6[%dma_start3A_174] : memref<1000xf32, #tpu.memory_space<hbm>> -> memref<1000xf32, #tpu.memory_space<hbm>>
    tpu.enqueue_indirect_dma source(%dma_start3A_175 : memref<1000xf32, #tpu.memory_space<hbm>>) target(%dma_start3A_171 : memref<80xf32, #tpu.memory_space<vmem>>) offsets(%dma_start3A_173 : memref<80xi32, #tpu.memory_space<vmem>>) semaphore(%arg21 : memref<!tpu.dma_semaphore, #tpu.memory_space<semaphore_mem>>)
    %dma_start3A_176 = arith.constant 1120 : i32
    %dma_start3A_177 = tpu.memref_slice %arg13[%dma_start3A_176] : memref<1600xf32, #tpu.memory_space<vmem>> -> memref<80xf32, #tpu.memory_space<vmem>>
    %dma_start3A_178 = arith.constant 1120 : i32
    %dma_start3A_179 = tpu.memref_slice %arg10[%dma_start3A_178] : memref<1600xi32, #tpu.memory_space<vmem>> -> memref<80xi32, #tpu.memory_space<vmem>>
    %dma_start3A_180 = arith.constant 0 : i32
    %dma_start3A_181 = tpu.memref_slice %arg3[%dma_start3A_180] : memref<1000000xf32, #tpu.memory_space<hbm>> -> memref<1000000xf32, #tpu.memory_space<hbm>>
    tpu.enqueue_indirect_dma source(%dma_start3A_181 : memref<1000000xf32, #tpu.memory_space<hbm>>) target(%dma_start3A_177 : memref<80xf32, #tpu.memory_space<vmem>>) offsets(%dma_start3A_179 : memref<80xi32, #tpu.memory_space<vmem>>) semaphore(%arg20 : memref<!tpu.dma_semaphore, #tpu.memory_space<semaphore_mem>>)
    %dma_start3A_182 = arith.constant 1120 : i32
    %dma_start3A_183 = tpu.memref_slice %arg14[%dma_start3A_182] : memref<1600xf32, #tpu.memory_space<vmem>> -> memref<80xf32, #tpu.memory_space<vmem>>
    %dma_start3A_184 = arith.constant 1120 : i32
    %dma_start3A_185 = tpu.memref_slice %arg9[%dma_start3A_184] : memref<1600xi32, #tpu.memory_space<vmem>> -> memref<80xi32, #tpu.memory_space<vmem>>
    %dma_start3A_186 = arith.constant 0 : i32
    %dma_start3A_187 = tpu.memref_slice %arg6[%dma_start3A_186] : memref<1000xf32, #tpu.memory_space<hbm>> -> memref<1000xf32, #tpu.memory_space<hbm>>
    tpu.enqueue_indirect_dma source(%dma_start3A_187 : memref<1000xf32, #tpu.memory_space<hbm>>) target(%dma_start3A_183 : memref<80xf32, #tpu.memory_space<vmem>>) offsets(%dma_start3A_185 : memref<80xi32, #tpu.memory_space<vmem>>) semaphore(%arg21 : memref<!tpu.dma_semaphore, #tpu.memory_space<semaphore_mem>>)
    %dma_start3A_188 = arith.constant 1200 : i32
    %dma_start3A_189 = tpu.memref_slice %arg13[%dma_start3A_188] : memref<1600xf32, #tpu.memory_space<vmem>> -> memref<80xf32, #tpu.memory_space<vmem>>
    %dma_start3A_190 = arith.constant 1200 : i32
    %dma_start3A_191 = tpu.memref_slice %arg10[%dma_start3A_190] : memref<1600xi32, #tpu.memory_space<vmem>> -> memref<80xi32, #tpu.memory_space<vmem>>
    %dma_start3A_192 = arith.constant 0 : i32
    %dma_start3A_193 = tpu.memref_slice %arg3[%dma_start3A_192] : memref<1000000xf32, #tpu.memory_space<hbm>> -> memref<1000000xf32, #tpu.memory_space<hbm>>
    tpu.enqueue_indirect_dma source(%dma_start3A_193 : memref<1000000xf32, #tpu.memory_space<hbm>>) target(%dma_start3A_189 : memref<80xf32, #tpu.memory_space<vmem>>) offsets(%dma_start3A_191 : memref<80xi32, #tpu.memory_space<vmem>>) semaphore(%arg20 : memref<!tpu.dma_semaphore, #tpu.memory_space<semaphore_mem>>)
    %dma_start3A_194 = arith.constant 1200 : i32
    %dma_start3A_195 = tpu.memref_slice %arg14[%dma_start3A_194] : memref<1600xf32, #tpu.memory_space<vmem>> -> memref<80xf32, #tpu.memory_space<vmem>>
    %dma_start3A_196 = arith.constant 1200 : i32
    %dma_start3A_197 = tpu.memref_slice %arg9[%dma_start3A_196] : memref<1600xi32, #tpu.memory_space<vmem>> -> memref<80xi32, #tpu.memory_space<vmem>>
    %dma_start3A_198 = arith.constant 0 : i32
    %dma_start3A_199 = tpu.memref_slice %arg6[%dma_start3A_198] : memref<1000xf32, #tpu.memory_space<hbm>> -> memref<1000xf32, #tpu.memory_space<hbm>>
    tpu.enqueue_indirect_dma source(%dma_start3A_199 : memref<1000xf32, #tpu.memory_space<hbm>>) target(%dma_start3A_195 : memref<80xf32, #tpu.memory_space<vmem>>) offsets(%dma_start3A_197 : memref<80xi32, #tpu.memory_space<vmem>>) semaphore(%arg21 : memref<!tpu.dma_semaphore, #tpu.memory_space<semaphore_mem>>)
    %dma_start3A_200 = arith.constant 1280 : i32
    %dma_start3A_201 = tpu.memref_slice %arg13[%dma_start3A_200] : memref<1600xf32, #tpu.memory_space<vmem>> -> memref<80xf32, #tpu.memory_space<vmem>>
    %dma_start3A_202 = arith.constant 1280 : i32
    %dma_start3A_203 = tpu.memref_slice %arg10[%dma_start3A_202] : memref<1600xi32, #tpu.memory_space<vmem>> -> memref<80xi32, #tpu.memory_space<vmem>>
    %dma_start3A_204 = arith.constant 0 : i32
    %dma_start3A_205 = tpu.memref_slice %arg3[%dma_start3A_204] : memref<1000000xf32, #tpu.memory_space<hbm>> -> memref<1000000xf32, #tpu.memory_space<hbm>>
    tpu.enqueue_indirect_dma source(%dma_start3A_205 : memref<1000000xf32, #tpu.memory_space<hbm>>) target(%dma_start3A_201 : memref<80xf32, #tpu.memory_space<vmem>>) offsets(%dma_start3A_203 : memref<80xi32, #tpu.memory_space<vmem>>) semaphore(%arg20 : memref<!tpu.dma_semaphore, #tpu.memory_space<semaphore_mem>>)
    %dma_start3A_206 = arith.constant 1280 : i32
    %dma_start3A_207 = tpu.memref_slice %arg14[%dma_start3A_206] : memref<1600xf32, #tpu.memory_space<vmem>> -> memref<80xf32, #tpu.memory_space<vmem>>
    %dma_start3A_208 = arith.constant 1280 : i32
    %dma_start3A_209 = tpu.memref_slice %arg9[%dma_start3A_208] : memref<1600xi32, #tpu.memory_space<vmem>> -> memref<80xi32, #tpu.memory_space<vmem>>
    %dma_start3A_210 = arith.constant 0 : i32
    %dma_start3A_211 = tpu.memref_slice %arg6[%dma_start3A_210] : memref<1000xf32, #tpu.memory_space<hbm>> -> memref<1000xf32, #tpu.memory_space<hbm>>
    tpu.enqueue_indirect_dma source(%dma_start3A_211 : memref<1000xf32, #tpu.memory_space<hbm>>) target(%dma_start3A_207 : memref<80xf32, #tpu.memory_space<vmem>>) offsets(%dma_start3A_209 : memref<80xi32, #tpu.memory_space<vmem>>) semaphore(%arg21 : memref<!tpu.dma_semaphore, #tpu.memory_space<semaphore_mem>>)
    %dma_start3A_212 = arith.constant 1360 : i32
    %dma_start3A_213 = tpu.memref_slice %arg13[%dma_start3A_212] : memref<1600xf32, #tpu.memory_space<vmem>> -> memref<80xf32, #tpu.memory_space<vmem>>
    %dma_start3A_214 = arith.constant 1360 : i32
    %dma_start3A_215 = tpu.memref_slice %arg10[%dma_start3A_214] : memref<1600xi32, #tpu.memory_space<vmem>> -> memref<80xi32, #tpu.memory_space<vmem>>
    %dma_start3A_216 = arith.constant 0 : i32
    %dma_start3A_217 = tpu.memref_slice %arg3[%dma_start3A_216] : memref<1000000xf32, #tpu.memory_space<hbm>> -> memref<1000000xf32, #tpu.memory_space<hbm>>
    tpu.enqueue_indirect_dma source(%dma_start3A_217 : memref<1000000xf32, #tpu.memory_space<hbm>>) target(%dma_start3A_213 : memref<80xf32, #tpu.memory_space<vmem>>) offsets(%dma_start3A_215 : memref<80xi32, #tpu.memory_space<vmem>>) semaphore(%arg20 : memref<!tpu.dma_semaphore, #tpu.memory_space<semaphore_mem>>)
    %dma_start3A_218 = arith.constant 1360 : i32
    %dma_start3A_219 = tpu.memref_slice %arg14[%dma_start3A_218] : memref<1600xf32, #tpu.memory_space<vmem>> -> memref<80xf32, #tpu.memory_space<vmem>>
    %dma_start3A_220 = arith.constant 1360 : i32
    %dma_start3A_221 = tpu.memref_slice %arg9[%dma_start3A_220] : memref<1600xi32, #tpu.memory_space<vmem>> -> memref<80xi32, #tpu.memory_space<vmem>>
    %dma_start3A_222 = arith.constant 0 : i32
    %dma_start3A_223 = tpu.memref_slice %arg6[%dma_start3A_222] : memref<1000xf32, #tpu.memory_space<hbm>> -> memref<1000xf32, #tpu.memory_space<hbm>>
    tpu.enqueue_indirect_dma source(%dma_start3A_223 : memref<1000xf32, #tpu.memory_space<hbm>>) target(%dma_start3A_219 : memref<80xf32, #tpu.memory_space<vmem>>) offsets(%dma_start3A_221 : memref<80xi32, #tpu.memory_space<vmem>>) semaphore(%arg21 : memref<!tpu.dma_semaphore, #tpu.memory_space<semaphore_mem>>)
    %dma_start3A_224 = arith.constant 1440 : i32
    %dma_start3A_225 = tpu.memref_slice %arg13[%dma_start3A_224] : memref<1600xf32, #tpu.memory_space<vmem>> -> memref<80xf32, #tpu.memory_space<vmem>>
    %dma_start3A_226 = arith.constant 1440 : i32
    %dma_start3A_227 = tpu.memref_slice %arg10[%dma_start3A_226] : memref<1600xi32, #tpu.memory_space<vmem>> -> memref<80xi32, #tpu.memory_space<vmem>>
    %dma_start3A_228 = arith.constant 0 : i32
    %dma_start3A_229 = tpu.memref_slice %arg3[%dma_start3A_228] : memref<1000000xf32, #tpu.memory_space<hbm>> -> memref<1000000xf32, #tpu.memory_space<hbm>>
    tpu.enqueue_indirect_dma source(%dma_start3A_229 : memref<1000000xf32, #tpu.memory_space<hbm>>) target(%dma_start3A_225 : memref<80xf32, #tpu.memory_space<vmem>>) offsets(%dma_start3A_227 : memref<80xi32, #tpu.memory_space<vmem>>) semaphore(%arg20 : memref<!tpu.dma_semaphore, #tpu.memory_space<semaphore_mem>>)
    %dma_start3A_230 = arith.constant 1440 : i32
    %dma_start3A_231 = tpu.memref_slice %arg14[%dma_start3A_230] : memref<1600xf32, #tpu.memory_space<vmem>> -> memref<80xf32, #tpu.memory_space<vmem>>
    %dma_start3A_232 = arith.constant 1440 : i32
    %dma_start3A_233 = tpu.memref_slice %arg9[%dma_start3A_232] : memref<1600xi32, #tpu.memory_space<vmem>> -> memref<80xi32, #tpu.memory_space<vmem>>
    %dma_start3A_234 = arith.constant 0 : i32
    %dma_start3A_235 = tpu.memref_slice %arg6[%dma_start3A_234] : memref<1000xf32, #tpu.memory_space<hbm>> -> memref<1000xf32, #tpu.memory_space<hbm>>
    tpu.enqueue_indirect_dma source(%dma_start3A_235 : memref<1000xf32, #tpu.memory_space<hbm>>) target(%dma_start3A_231 : memref<80xf32, #tpu.memory_space<vmem>>) offsets(%dma_start3A_233 : memref<80xi32, #tpu.memory_space<vmem>>) semaphore(%arg21 : memref<!tpu.dma_semaphore, #tpu.memory_space<semaphore_mem>>)
    %dma_start3A_236 = arith.constant 1520 : i32
    %dma_start3A_237 = tpu.memref_slice %arg13[%dma_start3A_236] : memref<1600xf32, #tpu.memory_space<vmem>> -> memref<80xf32, #tpu.memory_space<vmem>>
    %dma_start3A_238 = arith.constant 1520 : i32
    %dma_start3A_239 = tpu.memref_slice %arg10[%dma_start3A_238] : memref<1600xi32, #tpu.memory_space<vmem>> -> memref<80xi32, #tpu.memory_space<vmem>>
    %dma_start3A_240 = arith.constant 0 : i32
    %dma_start3A_241 = tpu.memref_slice %arg3[%dma_start3A_240] : memref<1000000xf32, #tpu.memory_space<hbm>> -> memref<1000000xf32, #tpu.memory_space<hbm>>
    tpu.enqueue_indirect_dma source(%dma_start3A_241 : memref<1000000xf32, #tpu.memory_space<hbm>>) target(%dma_start3A_237 : memref<80xf32, #tpu.memory_space<vmem>>) offsets(%dma_start3A_239 : memref<80xi32, #tpu.memory_space<vmem>>) semaphore(%arg20 : memref<!tpu.dma_semaphore, #tpu.memory_space<semaphore_mem>>)
    %dma_start3A_242 = arith.constant 1520 : i32
    %dma_start3A_243 = tpu.memref_slice %arg14[%dma_start3A_242] : memref<1600xf32, #tpu.memory_space<vmem>> -> memref<80xf32, #tpu.memory_space<vmem>>
    %dma_start3A_244 = arith.constant 1520 : i32
    %dma_start3A_245 = tpu.memref_slice %arg9[%dma_start3A_244] : memref<1600xi32, #tpu.memory_space<vmem>> -> memref<80xi32, #tpu.memory_space<vmem>>
    %dma_start3A_246 = arith.constant 0 : i32
    %dma_start3A_247 = tpu.memref_slice %arg6[%dma_start3A_246] : memref<1000xf32, #tpu.memory_space<hbm>> -> memref<1000xf32, #tpu.memory_space<hbm>>
    tpu.enqueue_indirect_dma source(%dma_start3A_247 : memref<1000xf32, #tpu.memory_space<hbm>>) target(%dma_start3A_243 : memref<80xf32, #tpu.memory_space<vmem>>) offsets(%dma_start3A_245 : memref<80xi32, #tpu.memory_space<vmem>>) semaphore(%arg21 : memref<!tpu.dma_semaphore, #tpu.memory_space<semaphore_mem>>)
    %dma_start3A_248 = arith.constant 0 : i32
    %dma_start3A_249 = tpu.memref_slice %arg9[%dma_start3A_248] : memref<1600xi32, #tpu.memory_space<vmem>> -> memref<40xi32, #tpu.memory_space<vmem>>
    %dma_start3A_250 = arith.constant 0 : i32
    %dma_start3A_251 = arith.constant 0 : i32
    %dma_start3A_252 = tpu.memref_slice %arg2[%dma_start3A_250, %dma_start3A_251] : memref<1000x1000xf32, #tpu.memory_space<hbm>> -> memref<1000x1000xf32, #tpu.memory_space<hbm>>
    tpu.enqueue_indirect_dma source(%dma_start3A_252 : memref<1000x1000xf32, #tpu.memory_space<hbm>>) target(%arg11 : memref<40x1000xf32, #tpu.memory_space<vmem>>) offsets(%dma_start3A_249 : memref<40xi32, #tpu.memory_space<vmem>>) semaphore(%arg16 : memref<!tpu.dma_semaphore, #tpu.memory_space<semaphore_mem>>)
    %dma_start3A_253 = arith.constant 40 : i32
    %dma_start3A_254 = tpu.memref_slice %arg9[%dma_start3A_253] : memref<1600xi32, #tpu.memory_space<vmem>> -> memref<40xi32, #tpu.memory_space<vmem>>
    %dma_start3A_255 = arith.constant 0 : i32
    %dma_start3A_256 = arith.constant 0 : i32
    %dma_start3A_257 = tpu.memref_slice %arg2[%dma_start3A_255, %dma_start3A_256] : memref<1000x1000xf32, #tpu.memory_space<hbm>> -> memref<1000x1000xf32, #tpu.memory_space<hbm>>
    tpu.enqueue_indirect_dma source(%dma_start3A_257 : memref<1000x1000xf32, #tpu.memory_space<hbm>>) target(%arg12 : memref<40x1000xf32, #tpu.memory_space<vmem>>) offsets(%dma_start3A_254 : memref<40xi32, #tpu.memory_space<vmem>>) semaphore(%arg17 : memref<!tpu.dma_semaphore, #tpu.memory_space<semaphore_mem>>)
    %dma_wait3A = arith.constant 0 : i32
    %dma_wait3A_258 = tpu.memref_slice %arg9[%dma_wait3A] : memref<1600xi32, #tpu.memory_space<vmem>> -> memref<40xi32, #tpu.memory_space<vmem>>
    %dma_wait3A_259 = arith.constant 0 : i32
    %dma_wait3A_260 = arith.constant 0 : i32
    %dma_wait3A_261 = tpu.memref_slice %arg2[%dma_wait3A_259, %dma_wait3A_260] : memref<1000x1000xf32, #tpu.memory_space<hbm>> -> memref<1000x1000xf32, #tpu.memory_space<hbm>>
    tpu.wait_indirect_dma semaphore(%arg16 : memref<!tpu.dma_semaphore, #tpu.memory_space<semaphore_mem>>) src(%dma_wait3A_261 : memref<1000x1000xf32, #tpu.memory_space<hbm>>) dst(%arg11 : memref<40x1000xf32, #tpu.memory_space<vmem>>)
    %add3A_262 = arith.constant 0 : i32
    %add3A_263 = arith.addi %mul3A_2, %add3A_262 : i32
    %dma_start3A_264 = arith.constant 0 : i32
    %dma_start3A_265 = tpu.memref_slice %arg7[%add3A_263, %dma_start3A_264] : memref<51200x1000xf32, #tpu.memory_space<hbm>> -> memref<40x1000xf32, #tpu.memory_space<hbm>>
    %dma_start3A_266 = arith.constant 0 : i32
    %dma_start3A_267 = tpu.memref_slice %arg7[%add3A_263, %dma_start3A_266] : memref<51200x1000xf32, #tpu.memory_space<hbm>> -> memref<40x1000xf32, #tpu.memory_space<hbm>>
    tpu.enqueue_dma source(%arg11 : memref<40x1000xf32, #tpu.memory_space<vmem>>) target(%dma_start3A_267 : memref<40x1000xf32, #tpu.memory_space<hbm>>) target_semaphore(%arg18 : memref<!tpu.dma_semaphore, #tpu.memory_space<semaphore_mem>>)
    %scan3A_268 = arith.constant 0 : i32
    %scan3A_269 = arith.constant 0 : i32
    %scan3A_270 = arith.constant 19 : i32
    %scan3A_271 = arith.addi %scan3A_269, %scan3A_270 : i32
    %scan3A_272 = arith.constant 1 : i32
    %scan3A_273 = scf.for %scan3A_548 = %scan3A_269 to %scan3A_271 step %scan3A_272 iter_args(%scan3A_549 = %scan3A_268) -> (i32)  : i32 {
      %mul3A_550 = arith.constant 2 : i32
      %mul3A_551 = arith.muli %mul3A_550, %scan3A_548 : i32
      %add3A_552 = arith.constant 1 : i32
      %add3A_553 = arith.addi %mul3A_551, %add3A_552 : i32
      %mul3A_554 = arith.constant 40 : i32
      %mul3A_555 = arith.muli %add3A_553, %mul3A_554 : i32
      %dma_wait3A_556 = tpu.memref_slice %arg9[%mul3A_555] : memref<1600xi32, #tpu.memory_space<vmem>> -> memref<40xi32, #tpu.memory_space<vmem>>
      %dma_wait3A_557 = arith.constant 0 : i32
      %dma_wait3A_558 = arith.constant 0 : i32
      %dma_wait3A_559 = tpu.memref_slice %arg2[%dma_wait3A_557, %dma_wait3A_558] : memref<1000x1000xf32, #tpu.memory_space<hbm>> -> memref<1000x1000xf32, #tpu.memory_space<hbm>>
      tpu.wait_indirect_dma semaphore(%arg17 : memref<!tpu.dma_semaphore, #tpu.memory_space<semaphore_mem>>) src(%dma_wait3A_559 : memref<1000x1000xf32, #tpu.memory_space<hbm>>) dst(%arg12 : memref<40x1000xf32, #tpu.memory_space<vmem>>)
      %sub3A = arith.constant 1 : i32
      %sub3A_560 = arith.subi %add3A_553, %sub3A : i32
      %mul3A_561 = arith.constant 40 : i32
      %mul3A_562 = arith.muli %sub3A_560, %mul3A_561 : i32
      %add3A_563 = arith.addi %mul3A_2, %mul3A_562 : i32
      %dma_wait3A_564 = arith.constant 0 : i32
      %dma_wait3A_565 = tpu.memref_slice %arg7[%add3A_563, %dma_wait3A_564] : memref<51200x1000xf32, #tpu.memory_space<hbm>> -> memref<40x1000xf32, #tpu.memory_space<hbm>>
      %dma_wait3A_566 = arith.constant 0 : i32
      %dma_wait3A_567 = tpu.memref_slice %arg7[%add3A_563, %dma_wait3A_566] : memref<51200x1000xf32, #tpu.memory_space<hbm>> -> memref<40x1000xf32, #tpu.memory_space<hbm>>
      tpu.wait_dma2 semaphore(%arg18 : memref<!tpu.dma_semaphore, #tpu.memory_space<semaphore_mem>>) src(%arg11 : memref<40x1000xf32, #tpu.memory_space<vmem>>) dst(%dma_wait3A_567 : memref<40x1000xf32, #tpu.memory_space<hbm>>)
      %add3A_568 = arith.constant 1 : i32
      %add3A_569 = arith.addi %add3A_553, %add3A_568 : i32
      %mul3A_570 = arith.constant 40 : i32
      %mul3A_571 = arith.muli %add3A_569, %mul3A_570 : i32
      %dma_start3A_572 = tpu.memref_slice %arg9[%mul3A_571] : memref<1600xi32, #tpu.memory_space<vmem>> -> memref<40xi32, #tpu.memory_space<vmem>>
      %dma_start3A_573 = arith.constant 0 : i32
      %dma_start3A_574 = arith.constant 0 : i32
      %dma_start3A_575 = tpu.memref_slice %arg2[%dma_start3A_573, %dma_start3A_574] : memref<1000x1000xf32, #tpu.memory_space<hbm>> -> memref<1000x1000xf32, #tpu.memory_space<hbm>>
      tpu.enqueue_indirect_dma source(%dma_start3A_575 : memref<1000x1000xf32, #tpu.memory_space<hbm>>) target(%arg11 : memref<40x1000xf32, #tpu.memory_space<vmem>>) offsets(%dma_start3A_572 : memref<40xi32, #tpu.memory_space<vmem>>) semaphore(%arg16 : memref<!tpu.dma_semaphore, #tpu.memory_space<semaphore_mem>>)
      %mul3A_576 = arith.constant 40 : i32
      %mul3A_577 = arith.muli %add3A_553, %mul3A_576 : i32
      %add3A_578 = arith.addi %mul3A_2, %mul3A_577 : i32
      %dma_start3A_579 = arith.constant 0 : i32
      %dma_start3A_580 = tpu.memref_slice %arg7[%add3A_578, %dma_start3A_579] : memref<51200x1000xf32, #tpu.memory_space<hbm>> -> memref<40x1000xf32, #tpu.memory_space<hbm>>
      %dma_start3A_581 = arith.constant 0 : i32
      %dma_start3A_582 = tpu.memref_slice %arg7[%add3A_578, %dma_start3A_581] : memref<51200x1000xf32, #tpu.memory_space<hbm>> -> memref<40x1000xf32, #tpu.memory_space<hbm>>
      tpu.enqueue_dma source(%arg12 : memref<40x1000xf32, #tpu.memory_space<vmem>>) target(%dma_start3A_582 : memref<40x1000xf32, #tpu.memory_space<hbm>>) target_semaphore(%arg19 : memref<!tpu.dma_semaphore, #tpu.memory_space<semaphore_mem>>)
      %mul3A_583 = arith.constant 2 : i32
      %mul3A_584 = arith.muli %mul3A_583, %scan3A_548 : i32
      %add3A_585 = arith.constant 2 : i32
      %add3A_586 = arith.addi %mul3A_584, %add3A_585 : i32
      %mul3A_587 = arith.constant 40 : i32
      %mul3A_588 = arith.muli %add3A_586, %mul3A_587 : i32
      %dma_wait3A_589 = tpu.memref_slice %arg9[%mul3A_588] : memref<1600xi32, #tpu.memory_space<vmem>> -> memref<40xi32, #tpu.memory_space<vmem>>
      %dma_wait3A_590 = arith.constant 0 : i32
      %dma_wait3A_591 = arith.constant 0 : i32
      %dma_wait3A_592 = tpu.memref_slice %arg2[%dma_wait3A_590, %dma_wait3A_591] : memref<1000x1000xf32, #tpu.memory_space<hbm>> -> memref<1000x1000xf32, #tpu.memory_space<hbm>>
      tpu.wait_indirect_dma semaphore(%arg16 : memref<!tpu.dma_semaphore, #tpu.memory_space<semaphore_mem>>) src(%dma_wait3A_592 : memref<1000x1000xf32, #tpu.memory_space<hbm>>) dst(%arg11 : memref<40x1000xf32, #tpu.memory_space<vmem>>)
      %sub3A_593 = arith.constant 1 : i32
      %sub3A_594 = arith.subi %add3A_586, %sub3A_593 : i32
      %mul3A_595 = arith.constant 40 : i32
      %mul3A_596 = arith.muli %sub3A_594, %mul3A_595 : i32
      %add3A_597 = arith.addi %mul3A_2, %mul3A_596 : i32
      %dma_wait3A_598 = arith.constant 0 : i32
      %dma_wait3A_599 = tpu.memref_slice %arg7[%add3A_597, %dma_wait3A_598] : memref<51200x1000xf32, #tpu.memory_space<hbm>> -> memref<40x1000xf32, #tpu.memory_space<hbm>>
      %dma_wait3A_600 = arith.constant 0 : i32
      %dma_wait3A_601 = tpu.memref_slice %arg7[%add3A_597, %dma_wait3A_600] : memref<51200x1000xf32, #tpu.memory_space<hbm>> -> memref<40x1000xf32, #tpu.memory_space<hbm>>
      tpu.wait_dma2 semaphore(%arg19 : memref<!tpu.dma_semaphore, #tpu.memory_space<semaphore_mem>>) src(%arg12 : memref<40x1000xf32, #tpu.memory_space<vmem>>) dst(%dma_wait3A_601 : memref<40x1000xf32, #tpu.memory_space<hbm>>)
      %add3A_602 = arith.constant 1 : i32
      %add3A_603 = arith.addi %add3A_586, %add3A_602 : i32
      %mul3A_604 = arith.constant 40 : i32
      %mul3A_605 = arith.muli %add3A_603, %mul3A_604 : i32
      %dma_start3A_606 = tpu.memref_slice %arg9[%mul3A_605] : memref<1600xi32, #tpu.memory_space<vmem>> -> memref<40xi32, #tpu.memory_space<vmem>>
      %dma_start3A_607 = arith.constant 0 : i32
      %dma_start3A_608 = arith.constant 0 : i32
      %dma_start3A_609 = tpu.memref_slice %arg2[%dma_start3A_607, %dma_start3A_608] : memref<1000x1000xf32, #tpu.memory_space<hbm>> -> memref<1000x1000xf32, #tpu.memory_space<hbm>>
      tpu.enqueue_indirect_dma source(%dma_start3A_609 : memref<1000x1000xf32, #tpu.memory_space<hbm>>) target(%arg12 : memref<40x1000xf32, #tpu.memory_space<vmem>>) offsets(%dma_start3A_606 : memref<40xi32, #tpu.memory_space<vmem>>) semaphore(%arg17 : memref<!tpu.dma_semaphore, #tpu.memory_space<semaphore_mem>>)
      %mul3A_610 = arith.constant 40 : i32
      %mul3A_611 = arith.muli %add3A_586, %mul3A_610 : i32
      %add3A_612 = arith.addi %mul3A_2, %mul3A_611 : i32
      %dma_start3A_613 = arith.constant 0 : i32
      %dma_start3A_614 = tpu.memref_slice %arg7[%add3A_612, %dma_start3A_613] : memref<51200x1000xf32, #tpu.memory_space<hbm>> -> memref<40x1000xf32, #tpu.memory_space<hbm>>
      %dma_start3A_615 = arith.constant 0 : i32
      %dma_start3A_616 = tpu.memref_slice %arg7[%add3A_612, %dma_start3A_615] : memref<51200x1000xf32, #tpu.memory_space<hbm>> -> memref<40x1000xf32, #tpu.memory_space<hbm>>
      tpu.enqueue_dma source(%arg11 : memref<40x1000xf32, #tpu.memory_space<vmem>>) target(%dma_start3A_616 : memref<40x1000xf32, #tpu.memory_space<hbm>>) target_semaphore(%arg18 : memref<!tpu.dma_semaphore, #tpu.memory_space<semaphore_mem>>)
      %scan3A_617 = arith.constant 0 : i32
      scf.yield %scan3A_617 : i32
    }
    %scan3A_274 = arith.constant 19 : i32
    %dma_wait3A_275 = arith.constant 1560 : i32
    %dma_wait3A_276 = tpu.memref_slice %arg9[%dma_wait3A_275] : memref<1600xi32, #tpu.memory_space<vmem>> -> memref<40xi32, #tpu.memory_space<vmem>>
    %dma_wait3A_277 = arith.constant 0 : i32
    %dma_wait3A_278 = arith.constant 0 : i32
    %dma_wait3A_279 = tpu.memref_slice %arg2[%dma_wait3A_277, %dma_wait3A_278] : memref<1000x1000xf32, #tpu.memory_space<hbm>> -> memref<1000x1000xf32, #tpu.memory_space<hbm>>
    tpu.wait_indirect_dma semaphore(%arg17 : memref<!tpu.dma_semaphore, #tpu.memory_space<semaphore_mem>>) src(%dma_wait3A_279 : memref<1000x1000xf32, #tpu.memory_space<hbm>>) dst(%arg12 : memref<40x1000xf32, #tpu.memory_space<vmem>>)
    %add3A_280 = arith.constant 1520 : i32
    %add3A_281 = arith.addi %mul3A_2, %add3A_280 : i32
    %dma_wait3A_282 = arith.constant 0 : i32
    %dma_wait3A_283 = tpu.memref_slice %arg7[%add3A_281, %dma_wait3A_282] : memref<51200x1000xf32, #tpu.memory_space<hbm>> -> memref<40x1000xf32, #tpu.memory_space<hbm>>
    %dma_wait3A_284 = arith.constant 0 : i32
    %dma_wait3A_285 = tpu.memref_slice %arg7[%add3A_281, %dma_wait3A_284] : memref<51200x1000xf32, #tpu.memory_space<hbm>> -> memref<40x1000xf32, #tpu.memory_space<hbm>>
    tpu.wait_dma2 semaphore(%arg18 : memref<!tpu.dma_semaphore, #tpu.memory_space<semaphore_mem>>) src(%arg11 : memref<40x1000xf32, #tpu.memory_space<vmem>>) dst(%dma_wait3A_285 : memref<40x1000xf32, #tpu.memory_space<hbm>>)
    %add3A_286 = arith.constant 1560 : i32
    %add3A_287 = arith.addi %mul3A_2, %add3A_286 : i32
    %dma_start3A_288 = arith.constant 0 : i32
    %dma_start3A_289 = tpu.memref_slice %arg7[%add3A_287, %dma_start3A_288] : memref<51200x1000xf32, #tpu.memory_space<hbm>> -> memref<40x1000xf32, #tpu.memory_space<hbm>>
    %dma_start3A_290 = arith.constant 0 : i32
    %dma_start3A_291 = tpu.memref_slice %arg7[%add3A_287, %dma_start3A_290] : memref<51200x1000xf32, #tpu.memory_space<hbm>> -> memref<40x1000xf32, #tpu.memory_space<hbm>>
    tpu.enqueue_dma source(%arg12 : memref<40x1000xf32, #tpu.memory_space<vmem>>) target(%dma_start3A_291 : memref<40x1000xf32, #tpu.memory_space<hbm>>) target_semaphore(%arg19 : memref<!tpu.dma_semaphore, #tpu.memory_space<semaphore_mem>>)
    %add3A_292 = arith.constant 1560 : i32
    %add3A_293 = arith.addi %mul3A_2, %add3A_292 : i32
    %dma_wait3A_294 = arith.constant 0 : i32
    %dma_wait3A_295 = tpu.memref_slice %arg7[%add3A_293, %dma_wait3A_294] : memref<51200x1000xf32, #tpu.memory_space<hbm>> -> memref<40x1000xf32, #tpu.memory_space<hbm>>
    %dma_wait3A_296 = arith.constant 0 : i32
    %dma_wait3A_297 = tpu.memref_slice %arg7[%add3A_293, %dma_wait3A_296] : memref<51200x1000xf32, #tpu.memory_space<hbm>> -> memref<40x1000xf32, #tpu.memory_space<hbm>>
    tpu.wait_dma2 semaphore(%arg19 : memref<!tpu.dma_semaphore, #tpu.memory_space<semaphore_mem>>) src(%arg12 : memref<40x1000xf32, #tpu.memory_space<vmem>>) dst(%dma_wait3A_297 : memref<40x1000xf32, #tpu.memory_space<hbm>>)
    %dma_wait3A_298 = arith.constant 0 : i32
    %dma_wait3A_299 = tpu.memref_slice %arg13[%dma_wait3A_298] : memref<1600xf32, #tpu.memory_space<vmem>> -> memref<80xf32, #tpu.memory_space<vmem>>
    %dma_wait3A_300 = arith.constant 0 : i32
    %dma_wait3A_301 = tpu.memref_slice %arg10[%dma_wait3A_300] : memref<1600xi32, #tpu.memory_space<vmem>> -> memref<80xi32, #tpu.memory_space<vmem>>
    %dma_wait3A_302 = arith.constant 0 : i32
    %dma_wait3A_303 = tpu.memref_slice %arg3[%dma_wait3A_302] : memref<1000000xf32, #tpu.memory_space<hbm>> -> memref<1000000xf32, #tpu.memory_space<hbm>>
    tpu.wait_indirect_dma semaphore(%arg20 : memref<!tpu.dma_semaphore, #tpu.memory_space<semaphore_mem>>) src(%dma_wait3A_303 : memref<1000000xf32, #tpu.memory_space<hbm>>) dst(%dma_wait3A_299 : memref<80xf32, #tpu.memory_space<vmem>>)
    %dma_wait3A_304 = arith.constant 0 : i32
    %dma_wait3A_305 = tpu.memref_slice %arg14[%dma_wait3A_304] : memref<1600xf32, #tpu.memory_space<vmem>> -> memref<80xf32, #tpu.memory_space<vmem>>
    %dma_wait3A_306 = arith.constant 0 : i32
    %dma_wait3A_307 = tpu.memref_slice %arg9[%dma_wait3A_306] : memref<1600xi32, #tpu.memory_space<vmem>> -> memref<80xi32, #tpu.memory_space<vmem>>
    %dma_wait3A_308 = arith.constant 0 : i32
    %dma_wait3A_309 = tpu.memref_slice %arg6[%dma_wait3A_308] : memref<1000xf32, #tpu.memory_space<hbm>> -> memref<1000xf32, #tpu.memory_space<hbm>>
    tpu.wait_indirect_dma semaphore(%arg21 : memref<!tpu.dma_semaphore, #tpu.memory_space<semaphore_mem>>) src(%dma_wait3A_309 : memref<1000xf32, #tpu.memory_space<hbm>>) dst(%dma_wait3A_305 : memref<80xf32, #tpu.memory_space<vmem>>)
    %dma_wait3A_310 = arith.constant 80 : i32
    %dma_wait3A_311 = tpu.memref_slice %arg13[%dma_wait3A_310] : memref<1600xf32, #tpu.memory_space<vmem>> -> memref<80xf32, #tpu.memory_space<vmem>>
    %dma_wait3A_312 = arith.constant 80 : i32
    %dma_wait3A_313 = tpu.memref_slice %arg10[%dma_wait3A_312] : memref<1600xi32, #tpu.memory_space<vmem>> -> memref<80xi32, #tpu.memory_space<vmem>>
    %dma_wait3A_314 = arith.constant 0 : i32
    %dma_wait3A_315 = tpu.memref_slice %arg3[%dma_wait3A_314] : memref<1000000xf32, #tpu.memory_space<hbm>> -> memref<1000000xf32, #tpu.memory_space<hbm>>
    tpu.wait_indirect_dma semaphore(%arg20 : memref<!tpu.dma_semaphore, #tpu.memory_space<semaphore_mem>>) src(%dma_wait3A_315 : memref<1000000xf32, #tpu.memory_space<hbm>>) dst(%dma_wait3A_311 : memref<80xf32, #tpu.memory_space<vmem>>)
    %dma_wait3A_316 = arith.constant 80 : i32
    %dma_wait3A_317 = tpu.memref_slice %arg14[%dma_wait3A_316] : memref<1600xf32, #tpu.memory_space<vmem>> -> memref<80xf32, #tpu.memory_space<vmem>>
    %dma_wait3A_318 = arith.constant 80 : i32
    %dma_wait3A_319 = tpu.memref_slice %arg9[%dma_wait3A_318] : memref<1600xi32, #tpu.memory_space<vmem>> -> memref<80xi32, #tpu.memory_space<vmem>>
    %dma_wait3A_320 = arith.constant 0 : i32
    %dma_wait3A_321 = tpu.memref_slice %arg6[%dma_wait3A_320] : memref<1000xf32, #tpu.memory_space<hbm>> -> memref<1000xf32, #tpu.memory_space<hbm>>
    tpu.wait_indirect_dma semaphore(%arg21 : memref<!tpu.dma_semaphore, #tpu.memory_space<semaphore_mem>>) src(%dma_wait3A_321 : memref<1000xf32, #tpu.memory_space<hbm>>) dst(%dma_wait3A_317 : memref<80xf32, #tpu.memory_space<vmem>>)
    %dma_wait3A_322 = arith.constant 160 : i32
    %dma_wait3A_323 = tpu.memref_slice %arg13[%dma_wait3A_322] : memref<1600xf32, #tpu.memory_space<vmem>> -> memref<80xf32, #tpu.memory_space<vmem>>
    %dma_wait3A_324 = arith.constant 160 : i32
    %dma_wait3A_325 = tpu.memref_slice %arg10[%dma_wait3A_324] : memref<1600xi32, #tpu.memory_space<vmem>> -> memref<80xi32, #tpu.memory_space<vmem>>
    %dma_wait3A_326 = arith.constant 0 : i32
    %dma_wait3A_327 = tpu.memref_slice %arg3[%dma_wait3A_326] : memref<1000000xf32, #tpu.memory_space<hbm>> -> memref<1000000xf32, #tpu.memory_space<hbm>>
    tpu.wait_indirect_dma semaphore(%arg20 : memref<!tpu.dma_semaphore, #tpu.memory_space<semaphore_mem>>) src(%dma_wait3A_327 : memref<1000000xf32, #tpu.memory_space<hbm>>) dst(%dma_wait3A_323 : memref<80xf32, #tpu.memory_space<vmem>>)
    %dma_wait3A_328 = arith.constant 160 : i32
    %dma_wait3A_329 = tpu.memref_slice %arg14[%dma_wait3A_328] : memref<1600xf32, #tpu.memory_space<vmem>> -> memref<80xf32, #tpu.memory_space<vmem>>
    %dma_wait3A_330 = arith.constant 160 : i32
    %dma_wait3A_331 = tpu.memref_slice %arg9[%dma_wait3A_330] : memref<1600xi32, #tpu.memory_space<vmem>> -> memref<80xi32, #tpu.memory_space<vmem>>
    %dma_wait3A_332 = arith.constant 0 : i32
    %dma_wait3A_333 = tpu.memref_slice %arg6[%dma_wait3A_332] : memref<1000xf32, #tpu.memory_space<hbm>> -> memref<1000xf32, #tpu.memory_space<hbm>>
    tpu.wait_indirect_dma semaphore(%arg21 : memref<!tpu.dma_semaphore, #tpu.memory_space<semaphore_mem>>) src(%dma_wait3A_333 : memref<1000xf32, #tpu.memory_space<hbm>>) dst(%dma_wait3A_329 : memref<80xf32, #tpu.memory_space<vmem>>)
    %dma_wait3A_334 = arith.constant 240 : i32
    %dma_wait3A_335 = tpu.memref_slice %arg13[%dma_wait3A_334] : memref<1600xf32, #tpu.memory_space<vmem>> -> memref<80xf32, #tpu.memory_space<vmem>>
    %dma_wait3A_336 = arith.constant 240 : i32
    %dma_wait3A_337 = tpu.memref_slice %arg10[%dma_wait3A_336] : memref<1600xi32, #tpu.memory_space<vmem>> -> memref<80xi32, #tpu.memory_space<vmem>>
    %dma_wait3A_338 = arith.constant 0 : i32
    %dma_wait3A_339 = tpu.memref_slice %arg3[%dma_wait3A_338] : memref<1000000xf32, #tpu.memory_space<hbm>> -> memref<1000000xf32, #tpu.memory_space<hbm>>
    tpu.wait_indirect_dma semaphore(%arg20 : memref<!tpu.dma_semaphore, #tpu.memory_space<semaphore_mem>>) src(%dma_wait3A_339 : memref<1000000xf32, #tpu.memory_space<hbm>>) dst(%dma_wait3A_335 : memref<80xf32, #tpu.memory_space<vmem>>)
    %dma_wait3A_340 = arith.constant 240 : i32
    %dma_wait3A_341 = tpu.memref_slice %arg14[%dma_wait3A_340] : memref<1600xf32, #tpu.memory_space<vmem>> -> memref<80xf32, #tpu.memory_space<vmem>>
    %dma_wait3A_342 = arith.constant 240 : i32
    %dma_wait3A_343 = tpu.memref_slice %arg9[%dma_wait3A_342] : memref<1600xi32, #tpu.memory_space<vmem>> -> memref<80xi32, #tpu.memory_space<vmem>>
    %dma_wait3A_344 = arith.constant 0 : i32
    %dma_wait3A_345 = tpu.memref_slice %arg6[%dma_wait3A_344] : memref<1000xf32, #tpu.memory_space<hbm>> -> memref<1000xf32, #tpu.memory_space<hbm>>
    tpu.wait_indirect_dma semaphore(%arg21 : memref<!tpu.dma_semaphore, #tpu.memory_space<semaphore_mem>>) src(%dma_wait3A_345 : memref<1000xf32, #tpu.memory_space<hbm>>) dst(%dma_wait3A_341 : memref<80xf32, #tpu.memory_space<vmem>>)
    %dma_wait3A_346 = arith.constant 320 : i32
    %dma_wait3A_347 = tpu.memref_slice %arg13[%dma_wait3A_346] : memref<1600xf32, #tpu.memory_space<vmem>> -> memref<80xf32, #tpu.memory_space<vmem>>
    %dma_wait3A_348 = arith.constant 320 : i32
    %dma_wait3A_349 = tpu.memref_slice %arg10[%dma_wait3A_348] : memref<1600xi32, #tpu.memory_space<vmem>> -> memref<80xi32, #tpu.memory_space<vmem>>
    %dma_wait3A_350 = arith.constant 0 : i32
    %dma_wait3A_351 = tpu.memref_slice %arg3[%dma_wait3A_350] : memref<1000000xf32, #tpu.memory_space<hbm>> -> memref<1000000xf32, #tpu.memory_space<hbm>>
    tpu.wait_indirect_dma semaphore(%arg20 : memref<!tpu.dma_semaphore, #tpu.memory_space<semaphore_mem>>) src(%dma_wait3A_351 : memref<1000000xf32, #tpu.memory_space<hbm>>) dst(%dma_wait3A_347 : memref<80xf32, #tpu.memory_space<vmem>>)
    %dma_wait3A_352 = arith.constant 320 : i32
    %dma_wait3A_353 = tpu.memref_slice %arg14[%dma_wait3A_352] : memref<1600xf32, #tpu.memory_space<vmem>> -> memref<80xf32, #tpu.memory_space<vmem>>
    %dma_wait3A_354 = arith.constant 320 : i32
    %dma_wait3A_355 = tpu.memref_slice %arg9[%dma_wait3A_354] : memref<1600xi32, #tpu.memory_space<vmem>> -> memref<80xi32, #tpu.memory_space<vmem>>
    %dma_wait3A_356 = arith.constant 0 : i32
    %dma_wait3A_357 = tpu.memref_slice %arg6[%dma_wait3A_356] : memref<1000xf32, #tpu.memory_space<hbm>> -> memref<1000xf32, #tpu.memory_space<hbm>>
    tpu.wait_indirect_dma semaphore(%arg21 : memref<!tpu.dma_semaphore, #tpu.memory_space<semaphore_mem>>) src(%dma_wait3A_357 : memref<1000xf32, #tpu.memory_space<hbm>>) dst(%dma_wait3A_353 : memref<80xf32, #tpu.memory_space<vmem>>)
    %dma_wait3A_358 = arith.constant 400 : i32
    %dma_wait3A_359 = tpu.memref_slice %arg13[%dma_wait3A_358] : memref<1600xf32, #tpu.memory_space<vmem>> -> memref<80xf32, #tpu.memory_space<vmem>>
    %dma_wait3A_360 = arith.constant 400 : i32
    %dma_wait3A_361 = tpu.memref_slice %arg10[%dma_wait3A_360] : memref<1600xi32, #tpu.memory_space<vmem>> -> memref<80xi32, #tpu.memory_space<vmem>>
    %dma_wait3A_362 = arith.constant 0 : i32
    %dma_wait3A_363 = tpu.memref_slice %arg3[%dma_wait3A_362] : memref<1000000xf32, #tpu.memory_space<hbm>> -> memref<1000000xf32, #tpu.memory_space<hbm>>
    tpu.wait_indirect_dma semaphore(%arg20 : memref<!tpu.dma_semaphore, #tpu.memory_space<semaphore_mem>>) src(%dma_wait3A_363 : memref<1000000xf32, #tpu.memory_space<hbm>>) dst(%dma_wait3A_359 : memref<80xf32, #tpu.memory_space<vmem>>)
    %dma_wait3A_364 = arith.constant 400 : i32
    %dma_wait3A_365 = tpu.memref_slice %arg14[%dma_wait3A_364] : memref<1600xf32, #tpu.memory_space<vmem>> -> memref<80xf32, #tpu.memory_space<vmem>>
    %dma_wait3A_366 = arith.constant 400 : i32
    %dma_wait3A_367 = tpu.memref_slice %arg9[%dma_wait3A_366] : memref<1600xi32, #tpu.memory_space<vmem>> -> memref<80xi32, #tpu.memory_space<vmem>>
    %dma_wait3A_368 = arith.constant 0 : i32
    %dma_wait3A_369 = tpu.memref_slice %arg6[%dma_wait3A_368] : memref<1000xf32, #tpu.memory_space<hbm>> -> memref<1000xf32, #tpu.memory_space<hbm>>
    tpu.wait_indirect_dma semaphore(%arg21 : memref<!tpu.dma_semaphore, #tpu.memory_space<semaphore_mem>>) src(%dma_wait3A_369 : memref<1000xf32, #tpu.memory_space<hbm>>) dst(%dma_wait3A_365 : memref<80xf32, #tpu.memory_space<vmem>>)
    %dma_wait3A_370 = arith.constant 480 : i32
    %dma_wait3A_371 = tpu.memref_slice %arg13[%dma_wait3A_370] : memref<1600xf32, #tpu.memory_space<vmem>> -> memref<80xf32, #tpu.memory_space<vmem>>
    %dma_wait3A_372 = arith.constant 480 : i32
    %dma_wait3A_373 = tpu.memref_slice %arg10[%dma_wait3A_372] : memref<1600xi32, #tpu.memory_space<vmem>> -> memref<80xi32, #tpu.memory_space<vmem>>
    %dma_wait3A_374 = arith.constant 0 : i32
    %dma_wait3A_375 = tpu.memref_slice %arg3[%dma_wait3A_374] : memref<1000000xf32, #tpu.memory_space<hbm>> -> memref<1000000xf32, #tpu.memory_space<hbm>>
    tpu.wait_indirect_dma semaphore(%arg20 : memref<!tpu.dma_semaphore, #tpu.memory_space<semaphore_mem>>) src(%dma_wait3A_375 : memref<1000000xf32, #tpu.memory_space<hbm>>) dst(%dma_wait3A_371 : memref<80xf32, #tpu.memory_space<vmem>>)
    %dma_wait3A_376 = arith.constant 480 : i32
    %dma_wait3A_377 = tpu.memref_slice %arg14[%dma_wait3A_376] : memref<1600xf32, #tpu.memory_space<vmem>> -> memref<80xf32, #tpu.memory_space<vmem>>
    %dma_wait3A_378 = arith.constant 480 : i32
    %dma_wait3A_379 = tpu.memref_slice %arg9[%dma_wait3A_378] : memref<1600xi32, #tpu.memory_space<vmem>> -> memref<80xi32, #tpu.memory_space<vmem>>
    %dma_wait3A_380 = arith.constant 0 : i32
    %dma_wait3A_381 = tpu.memref_slice %arg6[%dma_wait3A_380] : memref<1000xf32, #tpu.memory_space<hbm>> -> memref<1000xf32, #tpu.memory_space<hbm>>
    tpu.wait_indirect_dma semaphore(%arg21 : memref<!tpu.dma_semaphore, #tpu.memory_space<semaphore_mem>>) src(%dma_wait3A_381 : memref<1000xf32, #tpu.memory_space<hbm>>) dst(%dma_wait3A_377 : memref<80xf32, #tpu.memory_space<vmem>>)
    %dma_wait3A_382 = arith.constant 560 : i32
    %dma_wait3A_383 = tpu.memref_slice %arg13[%dma_wait3A_382] : memref<1600xf32, #tpu.memory_space<vmem>> -> memref<80xf32, #tpu.memory_space<vmem>>
    %dma_wait3A_384 = arith.constant 560 : i32
    %dma_wait3A_385 = tpu.memref_slice %arg10[%dma_wait3A_384] : memref<1600xi32, #tpu.memory_space<vmem>> -> memref<80xi32, #tpu.memory_space<vmem>>
    %dma_wait3A_386 = arith.constant 0 : i32
    %dma_wait3A_387 = tpu.memref_slice %arg3[%dma_wait3A_386] : memref<1000000xf32, #tpu.memory_space<hbm>> -> memref<1000000xf32, #tpu.memory_space<hbm>>
    tpu.wait_indirect_dma semaphore(%arg20 : memref<!tpu.dma_semaphore, #tpu.memory_space<semaphore_mem>>) src(%dma_wait3A_387 : memref<1000000xf32, #tpu.memory_space<hbm>>) dst(%dma_wait3A_383 : memref<80xf32, #tpu.memory_space<vmem>>)
    %dma_wait3A_388 = arith.constant 560 : i32
    %dma_wait3A_389 = tpu.memref_slice %arg14[%dma_wait3A_388] : memref<1600xf32, #tpu.memory_space<vmem>> -> memref<80xf32, #tpu.memory_space<vmem>>
    %dma_wait3A_390 = arith.constant 560 : i32
    %dma_wait3A_391 = tpu.memref_slice %arg9[%dma_wait3A_390] : memref<1600xi32, #tpu.memory_space<vmem>> -> memref<80xi32, #tpu.memory_space<vmem>>
    %dma_wait3A_392 = arith.constant 0 : i32
    %dma_wait3A_393 = tpu.memref_slice %arg6[%dma_wait3A_392] : memref<1000xf32, #tpu.memory_space<hbm>> -> memref<1000xf32, #tpu.memory_space<hbm>>
    tpu.wait_indirect_dma semaphore(%arg21 : memref<!tpu.dma_semaphore, #tpu.memory_space<semaphore_mem>>) src(%dma_wait3A_393 : memref<1000xf32, #tpu.memory_space<hbm>>) dst(%dma_wait3A_389 : memref<80xf32, #tpu.memory_space<vmem>>)
    %dma_wait3A_394 = arith.constant 640 : i32
    %dma_wait3A_395 = tpu.memref_slice %arg13[%dma_wait3A_394] : memref<1600xf32, #tpu.memory_space<vmem>> -> memref<80xf32, #tpu.memory_space<vmem>>
    %dma_wait3A_396 = arith.constant 640 : i32
    %dma_wait3A_397 = tpu.memref_slice %arg10[%dma_wait3A_396] : memref<1600xi32, #tpu.memory_space<vmem>> -> memref<80xi32, #tpu.memory_space<vmem>>
    %dma_wait3A_398 = arith.constant 0 : i32
    %dma_wait3A_399 = tpu.memref_slice %arg3[%dma_wait3A_398] : memref<1000000xf32, #tpu.memory_space<hbm>> -> memref<1000000xf32, #tpu.memory_space<hbm>>
    tpu.wait_indirect_dma semaphore(%arg20 : memref<!tpu.dma_semaphore, #tpu.memory_space<semaphore_mem>>) src(%dma_wait3A_399 : memref<1000000xf32, #tpu.memory_space<hbm>>) dst(%dma_wait3A_395 : memref<80xf32, #tpu.memory_space<vmem>>)
    %dma_wait3A_400 = arith.constant 640 : i32
    %dma_wait3A_401 = tpu.memref_slice %arg14[%dma_wait3A_400] : memref<1600xf32, #tpu.memory_space<vmem>> -> memref<80xf32, #tpu.memory_space<vmem>>
    %dma_wait3A_402 = arith.constant 640 : i32
    %dma_wait3A_403 = tpu.memref_slice %arg9[%dma_wait3A_402] : memref<1600xi32, #tpu.memory_space<vmem>> -> memref<80xi32, #tpu.memory_space<vmem>>
    %dma_wait3A_404 = arith.constant 0 : i32
    %dma_wait3A_405 = tpu.memref_slice %arg6[%dma_wait3A_404] : memref<1000xf32, #tpu.memory_space<hbm>> -> memref<1000xf32, #tpu.memory_space<hbm>>
    tpu.wait_indirect_dma semaphore(%arg21 : memref<!tpu.dma_semaphore, #tpu.memory_space<semaphore_mem>>) src(%dma_wait3A_405 : memref<1000xf32, #tpu.memory_space<hbm>>) dst(%dma_wait3A_401 : memref<80xf32, #tpu.memory_space<vmem>>)
    %dma_wait3A_406 = arith.constant 720 : i32
    %dma_wait3A_407 = tpu.memref_slice %arg13[%dma_wait3A_406] : memref<1600xf32, #tpu.memory_space<vmem>> -> memref<80xf32, #tpu.memory_space<vmem>>
    %dma_wait3A_408 = arith.constant 720 : i32
    %dma_wait3A_409 = tpu.memref_slice %arg10[%dma_wait3A_408] : memref<1600xi32, #tpu.memory_space<vmem>> -> memref<80xi32, #tpu.memory_space<vmem>>
    %dma_wait3A_410 = arith.constant 0 : i32
    %dma_wait3A_411 = tpu.memref_slice %arg3[%dma_wait3A_410] : memref<1000000xf32, #tpu.memory_space<hbm>> -> memref<1000000xf32, #tpu.memory_space<hbm>>
    tpu.wait_indirect_dma semaphore(%arg20 : memref<!tpu.dma_semaphore, #tpu.memory_space<semaphore_mem>>) src(%dma_wait3A_411 : memref<1000000xf32, #tpu.memory_space<hbm>>) dst(%dma_wait3A_407 : memref<80xf32, #tpu.memory_space<vmem>>)
    %dma_wait3A_412 = arith.constant 720 : i32
    %dma_wait3A_413 = tpu.memref_slice %arg14[%dma_wait3A_412] : memref<1600xf32, #tpu.memory_space<vmem>> -> memref<80xf32, #tpu.memory_space<vmem>>
    %dma_wait3A_414 = arith.constant 720 : i32
    %dma_wait3A_415 = tpu.memref_slice %arg9[%dma_wait3A_414] : memref<1600xi32, #tpu.memory_space<vmem>> -> memref<80xi32, #tpu.memory_space<vmem>>
    %dma_wait3A_416 = arith.constant 0 : i32
    %dma_wait3A_417 = tpu.memref_slice %arg6[%dma_wait3A_416] : memref<1000xf32, #tpu.memory_space<hbm>> -> memref<1000xf32, #tpu.memory_space<hbm>>
    tpu.wait_indirect_dma semaphore(%arg21 : memref<!tpu.dma_semaphore, #tpu.memory_space<semaphore_mem>>) src(%dma_wait3A_417 : memref<1000xf32, #tpu.memory_space<hbm>>) dst(%dma_wait3A_413 : memref<80xf32, #tpu.memory_space<vmem>>)
    %dma_wait3A_418 = arith.constant 800 : i32
    %dma_wait3A_419 = tpu.memref_slice %arg13[%dma_wait3A_418] : memref<1600xf32, #tpu.memory_space<vmem>> -> memref<80xf32, #tpu.memory_space<vmem>>
    %dma_wait3A_420 = arith.constant 800 : i32
    %dma_wait3A_421 = tpu.memref_slice %arg10[%dma_wait3A_420] : memref<1600xi32, #tpu.memory_space<vmem>> -> memref<80xi32, #tpu.memory_space<vmem>>
    %dma_wait3A_422 = arith.constant 0 : i32
    %dma_wait3A_423 = tpu.memref_slice %arg3[%dma_wait3A_422] : memref<1000000xf32, #tpu.memory_space<hbm>> -> memref<1000000xf32, #tpu.memory_space<hbm>>
    tpu.wait_indirect_dma semaphore(%arg20 : memref<!tpu.dma_semaphore, #tpu.memory_space<semaphore_mem>>) src(%dma_wait3A_423 : memref<1000000xf32, #tpu.memory_space<hbm>>) dst(%dma_wait3A_419 : memref<80xf32, #tpu.memory_space<vmem>>)
    %dma_wait3A_424 = arith.constant 800 : i32
    %dma_wait3A_425 = tpu.memref_slice %arg14[%dma_wait3A_424] : memref<1600xf32, #tpu.memory_space<vmem>> -> memref<80xf32, #tpu.memory_space<vmem>>
    %dma_wait3A_426 = arith.constant 800 : i32
    %dma_wait3A_427 = tpu.memref_slice %arg9[%dma_wait3A_426] : memref<1600xi32, #tpu.memory_space<vmem>> -> memref<80xi32, #tpu.memory_space<vmem>>
    %dma_wait3A_428 = arith.constant 0 : i32
    %dma_wait3A_429 = tpu.memref_slice %arg6[%dma_wait3A_428] : memref<1000xf32, #tpu.memory_space<hbm>> -> memref<1000xf32, #tpu.memory_space<hbm>>
    tpu.wait_indirect_dma semaphore(%arg21 : memref<!tpu.dma_semaphore, #tpu.memory_space<semaphore_mem>>) src(%dma_wait3A_429 : memref<1000xf32, #tpu.memory_space<hbm>>) dst(%dma_wait3A_425 : memref<80xf32, #tpu.memory_space<vmem>>)
    %dma_wait3A_430 = arith.constant 880 : i32
    %dma_wait3A_431 = tpu.memref_slice %arg13[%dma_wait3A_430] : memref<1600xf32, #tpu.memory_space<vmem>> -> memref<80xf32, #tpu.memory_space<vmem>>
    %dma_wait3A_432 = arith.constant 880 : i32
    %dma_wait3A_433 = tpu.memref_slice %arg10[%dma_wait3A_432] : memref<1600xi32, #tpu.memory_space<vmem>> -> memref<80xi32, #tpu.memory_space<vmem>>
    %dma_wait3A_434 = arith.constant 0 : i32
    %dma_wait3A_435 = tpu.memref_slice %arg3[%dma_wait3A_434] : memref<1000000xf32, #tpu.memory_space<hbm>> -> memref<1000000xf32, #tpu.memory_space<hbm>>
    tpu.wait_indirect_dma semaphore(%arg20 : memref<!tpu.dma_semaphore, #tpu.memory_space<semaphore_mem>>) src(%dma_wait3A_435 : memref<1000000xf32, #tpu.memory_space<hbm>>) dst(%dma_wait3A_431 : memref<80xf32, #tpu.memory_space<vmem>>)
    %dma_wait3A_436 = arith.constant 880 : i32
    %dma_wait3A_437 = tpu.memref_slice %arg14[%dma_wait3A_436] : memref<1600xf32, #tpu.memory_space<vmem>> -> memref<80xf32, #tpu.memory_space<vmem>>
    %dma_wait3A_438 = arith.constant 880 : i32
    %dma_wait3A_439 = tpu.memref_slice %arg9[%dma_wait3A_438] : memref<1600xi32, #tpu.memory_space<vmem>> -> memref<80xi32, #tpu.memory_space<vmem>>
    %dma_wait3A_440 = arith.constant 0 : i32
    %dma_wait3A_441 = tpu.memref_slice %arg6[%dma_wait3A_440] : memref<1000xf32, #tpu.memory_space<hbm>> -> memref<1000xf32, #tpu.memory_space<hbm>>
    tpu.wait_indirect_dma semaphore(%arg21 : memref<!tpu.dma_semaphore, #tpu.memory_space<semaphore_mem>>) src(%dma_wait3A_441 : memref<1000xf32, #tpu.memory_space<hbm>>) dst(%dma_wait3A_437 : memref<80xf32, #tpu.memory_space<vmem>>)
    %dma_wait3A_442 = arith.constant 960 : i32
    %dma_wait3A_443 = tpu.memref_slice %arg13[%dma_wait3A_442] : memref<1600xf32, #tpu.memory_space<vmem>> -> memref<80xf32, #tpu.memory_space<vmem>>
    %dma_wait3A_444 = arith.constant 960 : i32
    %dma_wait3A_445 = tpu.memref_slice %arg10[%dma_wait3A_444] : memref<1600xi32, #tpu.memory_space<vmem>> -> memref<80xi32, #tpu.memory_space<vmem>>
    %dma_wait3A_446 = arith.constant 0 : i32
    %dma_wait3A_447 = tpu.memref_slice %arg3[%dma_wait3A_446] : memref<1000000xf32, #tpu.memory_space<hbm>> -> memref<1000000xf32, #tpu.memory_space<hbm>>
    tpu.wait_indirect_dma semaphore(%arg20 : memref<!tpu.dma_semaphore, #tpu.memory_space<semaphore_mem>>) src(%dma_wait3A_447 : memref<1000000xf32, #tpu.memory_space<hbm>>) dst(%dma_wait3A_443 : memref<80xf32, #tpu.memory_space<vmem>>)
    %dma_wait3A_448 = arith.constant 960 : i32
    %dma_wait3A_449 = tpu.memref_slice %arg14[%dma_wait3A_448] : memref<1600xf32, #tpu.memory_space<vmem>> -> memref<80xf32, #tpu.memory_space<vmem>>
    %dma_wait3A_450 = arith.constant 960 : i32
    %dma_wait3A_451 = tpu.memref_slice %arg9[%dma_wait3A_450] : memref<1600xi32, #tpu.memory_space<vmem>> -> memref<80xi32, #tpu.memory_space<vmem>>
    %dma_wait3A_452 = arith.constant 0 : i32
    %dma_wait3A_453 = tpu.memref_slice %arg6[%dma_wait3A_452] : memref<1000xf32, #tpu.memory_space<hbm>> -> memref<1000xf32, #tpu.memory_space<hbm>>
    tpu.wait_indirect_dma semaphore(%arg21 : memref<!tpu.dma_semaphore, #tpu.memory_space<semaphore_mem>>) src(%dma_wait3A_453 : memref<1000xf32, #tpu.memory_space<hbm>>) dst(%dma_wait3A_449 : memref<80xf32, #tpu.memory_space<vmem>>)
    %dma_wait3A_454 = arith.constant 1040 : i32
    %dma_wait3A_455 = tpu.memref_slice %arg13[%dma_wait3A_454] : memref<1600xf32, #tpu.memory_space<vmem>> -> memref<80xf32, #tpu.memory_space<vmem>>
    %dma_wait3A_456 = arith.constant 1040 : i32
    %dma_wait3A_457 = tpu.memref_slice %arg10[%dma_wait3A_456] : memref<1600xi32, #tpu.memory_space<vmem>> -> memref<80xi32, #tpu.memory_space<vmem>>
    %dma_wait3A_458 = arith.constant 0 : i32
    %dma_wait3A_459 = tpu.memref_slice %arg3[%dma_wait3A_458] : memref<1000000xf32, #tpu.memory_space<hbm>> -> memref<1000000xf32, #tpu.memory_space<hbm>>
    tpu.wait_indirect_dma semaphore(%arg20 : memref<!tpu.dma_semaphore, #tpu.memory_space<semaphore_mem>>) src(%dma_wait3A_459 : memref<1000000xf32, #tpu.memory_space<hbm>>) dst(%dma_wait3A_455 : memref<80xf32, #tpu.memory_space<vmem>>)
    %dma_wait3A_460 = arith.constant 1040 : i32
    %dma_wait3A_461 = tpu.memref_slice %arg14[%dma_wait3A_460] : memref<1600xf32, #tpu.memory_space<vmem>> -> memref<80xf32, #tpu.memory_space<vmem>>
    %dma_wait3A_462 = arith.constant 1040 : i32
    %dma_wait3A_463 = tpu.memref_slice %arg9[%dma_wait3A_462] : memref<1600xi32, #tpu.memory_space<vmem>> -> memref<80xi32, #tpu.memory_space<vmem>>
    %dma_wait3A_464 = arith.constant 0 : i32
    %dma_wait3A_465 = tpu.memref_slice %arg6[%dma_wait3A_464] : memref<1000xf32, #tpu.memory_space<hbm>> -> memref<1000xf32, #tpu.memory_space<hbm>>
    tpu.wait_indirect_dma semaphore(%arg21 : memref<!tpu.dma_semaphore, #tpu.memory_space<semaphore_mem>>) src(%dma_wait3A_465 : memref<1000xf32, #tpu.memory_space<hbm>>) dst(%dma_wait3A_461 : memref<80xf32, #tpu.memory_space<vmem>>)
    %dma_wait3A_466 = arith.constant 1120 : i32
    %dma_wait3A_467 = tpu.memref_slice %arg13[%dma_wait3A_466] : memref<1600xf32, #tpu.memory_space<vmem>> -> memref<80xf32, #tpu.memory_space<vmem>>
    %dma_wait3A_468 = arith.constant 1120 : i32
    %dma_wait3A_469 = tpu.memref_slice %arg10[%dma_wait3A_468] : memref<1600xi32, #tpu.memory_space<vmem>> -> memref<80xi32, #tpu.memory_space<vmem>>
    %dma_wait3A_470 = arith.constant 0 : i32
    %dma_wait3A_471 = tpu.memref_slice %arg3[%dma_wait3A_470] : memref<1000000xf32, #tpu.memory_space<hbm>> -> memref<1000000xf32, #tpu.memory_space<hbm>>
    tpu.wait_indirect_dma semaphore(%arg20 : memref<!tpu.dma_semaphore, #tpu.memory_space<semaphore_mem>>) src(%dma_wait3A_471 : memref<1000000xf32, #tpu.memory_space<hbm>>) dst(%dma_wait3A_467 : memref<80xf32, #tpu.memory_space<vmem>>)
    %dma_wait3A_472 = arith.constant 1120 : i32
    %dma_wait3A_473 = tpu.memref_slice %arg14[%dma_wait3A_472] : memref<1600xf32, #tpu.memory_space<vmem>> -> memref<80xf32, #tpu.memory_space<vmem>>
    %dma_wait3A_474 = arith.constant 1120 : i32
    %dma_wait3A_475 = tpu.memref_slice %arg9[%dma_wait3A_474] : memref<1600xi32, #tpu.memory_space<vmem>> -> memref<80xi32, #tpu.memory_space<vmem>>
    %dma_wait3A_476 = arith.constant 0 : i32
    %dma_wait3A_477 = tpu.memref_slice %arg6[%dma_wait3A_476] : memref<1000xf32, #tpu.memory_space<hbm>> -> memref<1000xf32, #tpu.memory_space<hbm>>
    tpu.wait_indirect_dma semaphore(%arg21 : memref<!tpu.dma_semaphore, #tpu.memory_space<semaphore_mem>>) src(%dma_wait3A_477 : memref<1000xf32, #tpu.memory_space<hbm>>) dst(%dma_wait3A_473 : memref<80xf32, #tpu.memory_space<vmem>>)
    %dma_wait3A_478 = arith.constant 1200 : i32
    %dma_wait3A_479 = tpu.memref_slice %arg13[%dma_wait3A_478] : memref<1600xf32, #tpu.memory_space<vmem>> -> memref<80xf32, #tpu.memory_space<vmem>>
    %dma_wait3A_480 = arith.constant 1200 : i32
    %dma_wait3A_481 = tpu.memref_slice %arg10[%dma_wait3A_480] : memref<1600xi32, #tpu.memory_space<vmem>> -> memref<80xi32, #tpu.memory_space<vmem>>
    %dma_wait3A_482 = arith.constant 0 : i32
    %dma_wait3A_483 = tpu.memref_slice %arg3[%dma_wait3A_482] : memref<1000000xf32, #tpu.memory_space<hbm>> -> memref<1000000xf32, #tpu.memory_space<hbm>>
    tpu.wait_indirect_dma semaphore(%arg20 : memref<!tpu.dma_semaphore, #tpu.memory_space<semaphore_mem>>) src(%dma_wait3A_483 : memref<1000000xf32, #tpu.memory_space<hbm>>) dst(%dma_wait3A_479 : memref<80xf32, #tpu.memory_space<vmem>>)
    %dma_wait3A_484 = arith.constant 1200 : i32
    %dma_wait3A_485 = tpu.memref_slice %arg14[%dma_wait3A_484] : memref<1600xf32, #tpu.memory_space<vmem>> -> memref<80xf32, #tpu.memory_space<vmem>>
    %dma_wait3A_486 = arith.constant 1200 : i32
    %dma_wait3A_487 = tpu.memref_slice %arg9[%dma_wait3A_486] : memref<1600xi32, #tpu.memory_space<vmem>> -> memref<80xi32, #tpu.memory_space<vmem>>
    %dma_wait3A_488 = arith.constant 0 : i32
    %dma_wait3A_489 = tpu.memref_slice %arg6[%dma_wait3A_488] : memref<1000xf32, #tpu.memory_space<hbm>> -> memref<1000xf32, #tpu.memory_space<hbm>>
    tpu.wait_indirect_dma semaphore(%arg21 : memref<!tpu.dma_semaphore, #tpu.memory_space<semaphore_mem>>) src(%dma_wait3A_489 : memref<1000xf32, #tpu.memory_space<hbm>>) dst(%dma_wait3A_485 : memref<80xf32, #tpu.memory_space<vmem>>)
    %dma_wait3A_490 = arith.constant 1280 : i32
    %dma_wait3A_491 = tpu.memref_slice %arg13[%dma_wait3A_490] : memref<1600xf32, #tpu.memory_space<vmem>> -> memref<80xf32, #tpu.memory_space<vmem>>
    %dma_wait3A_492 = arith.constant 1280 : i32
    %dma_wait3A_493 = tpu.memref_slice %arg10[%dma_wait3A_492] : memref<1600xi32, #tpu.memory_space<vmem>> -> memref<80xi32, #tpu.memory_space<vmem>>
    %dma_wait3A_494 = arith.constant 0 : i32
    %dma_wait3A_495 = tpu.memref_slice %arg3[%dma_wait3A_494] : memref<1000000xf32, #tpu.memory_space<hbm>> -> memref<1000000xf32, #tpu.memory_space<hbm>>
    tpu.wait_indirect_dma semaphore(%arg20 : memref<!tpu.dma_semaphore, #tpu.memory_space<semaphore_mem>>) src(%dma_wait3A_495 : memref<1000000xf32, #tpu.memory_space<hbm>>) dst(%dma_wait3A_491 : memref<80xf32, #tpu.memory_space<vmem>>)
    %dma_wait3A_496 = arith.constant 1280 : i32
    %dma_wait3A_497 = tpu.memref_slice %arg14[%dma_wait3A_496] : memref<1600xf32, #tpu.memory_space<vmem>> -> memref<80xf32, #tpu.memory_space<vmem>>
    %dma_wait3A_498 = arith.constant 1280 : i32
    %dma_wait3A_499 = tpu.memref_slice %arg9[%dma_wait3A_498] : memref<1600xi32, #tpu.memory_space<vmem>> -> memref<80xi32, #tpu.memory_space<vmem>>
    %dma_wait3A_500 = arith.constant 0 : i32
    %dma_wait3A_501 = tpu.memref_slice %arg6[%dma_wait3A_500] : memref<1000xf32, #tpu.memory_space<hbm>> -> memref<1000xf32, #tpu.memory_space<hbm>>
    tpu.wait_indirect_dma semaphore(%arg21 : memref<!tpu.dma_semaphore, #tpu.memory_space<semaphore_mem>>) src(%dma_wait3A_501 : memref<1000xf32, #tpu.memory_space<hbm>>) dst(%dma_wait3A_497 : memref<80xf32, #tpu.memory_space<vmem>>)
    %dma_wait3A_502 = arith.constant 1360 : i32
    %dma_wait3A_503 = tpu.memref_slice %arg13[%dma_wait3A_502] : memref<1600xf32, #tpu.memory_space<vmem>> -> memref<80xf32, #tpu.memory_space<vmem>>
    %dma_wait3A_504 = arith.constant 1360 : i32
    %dma_wait3A_505 = tpu.memref_slice %arg10[%dma_wait3A_504] : memref<1600xi32, #tpu.memory_space<vmem>> -> memref<80xi32, #tpu.memory_space<vmem>>
    %dma_wait3A_506 = arith.constant 0 : i32
    %dma_wait3A_507 = tpu.memref_slice %arg3[%dma_wait3A_506] : memref<1000000xf32, #tpu.memory_space<hbm>> -> memref<1000000xf32, #tpu.memory_space<hbm>>
    tpu.wait_indirect_dma semaphore(%arg20 : memref<!tpu.dma_semaphore, #tpu.memory_space<semaphore_mem>>) src(%dma_wait3A_507 : memref<1000000xf32, #tpu.memory_space<hbm>>) dst(%dma_wait3A_503 : memref<80xf32, #tpu.memory_space<vmem>>)
    %dma_wait3A_508 = arith.constant 1360 : i32
    %dma_wait3A_509 = tpu.memref_slice %arg14[%dma_wait3A_508] : memref<1600xf32, #tpu.memory_space<vmem>> -> memref<80xf32, #tpu.memory_space<vmem>>
    %dma_wait3A_510 = arith.constant 1360 : i32
    %dma_wait3A_511 = tpu.memref_slice %arg9[%dma_wait3A_510] : memref<1600xi32, #tpu.memory_space<vmem>> -> memref<80xi32, #tpu.memory_space<vmem>>
    %dma_wait3A_512 = arith.constant 0 : i32
    %dma_wait3A_513 = tpu.memref_slice %arg6[%dma_wait3A_512] : memref<1000xf32, #tpu.memory_space<hbm>> -> memref<1000xf32, #tpu.memory_space<hbm>>
    tpu.wait_indirect_dma semaphore(%arg21 : memref<!tpu.dma_semaphore, #tpu.memory_space<semaphore_mem>>) src(%dma_wait3A_513 : memref<1000xf32, #tpu.memory_space<hbm>>) dst(%dma_wait3A_509 : memref<80xf32, #tpu.memory_space<vmem>>)
    %dma_wait3A_514 = arith.constant 1440 : i32
    %dma_wait3A_515 = tpu.memref_slice %arg13[%dma_wait3A_514] : memref<1600xf32, #tpu.memory_space<vmem>> -> memref<80xf32, #tpu.memory_space<vmem>>
    %dma_wait3A_516 = arith.constant 1440 : i32
    %dma_wait3A_517 = tpu.memref_slice %arg10[%dma_wait3A_516] : memref<1600xi32, #tpu.memory_space<vmem>> -> memref<80xi32, #tpu.memory_space<vmem>>
    %dma_wait3A_518 = arith.constant 0 : i32
    %dma_wait3A_519 = tpu.memref_slice %arg3[%dma_wait3A_518] : memref<1000000xf32, #tpu.memory_space<hbm>> -> memref<1000000xf32, #tpu.memory_space<hbm>>
    tpu.wait_indirect_dma semaphore(%arg20 : memref<!tpu.dma_semaphore, #tpu.memory_space<semaphore_mem>>) src(%dma_wait3A_519 : memref<1000000xf32, #tpu.memory_space<hbm>>) dst(%dma_wait3A_515 : memref<80xf32, #tpu.memory_space<vmem>>)
    %dma_wait3A_520 = arith.constant 1440 : i32
    %dma_wait3A_521 = tpu.memref_slice %arg14[%dma_wait3A_520] : memref<1600xf32, #tpu.memory_space<vmem>> -> memref<80xf32, #tpu.memory_space<vmem>>
    %dma_wait3A_522 = arith.constant 1440 : i32
    %dma_wait3A_523 = tpu.memref_slice %arg9[%dma_wait3A_522] : memref<1600xi32, #tpu.memory_space<vmem>> -> memref<80xi32, #tpu.memory_space<vmem>>
    %dma_wait3A_524 = arith.constant 0 : i32
    %dma_wait3A_525 = tpu.memref_slice %arg6[%dma_wait3A_524] : memref<1000xf32, #tpu.memory_space<hbm>> -> memref<1000xf32, #tpu.memory_space<hbm>>
    tpu.wait_indirect_dma semaphore(%arg21 : memref<!tpu.dma_semaphore, #tpu.memory_space<semaphore_mem>>) src(%dma_wait3A_525 : memref<1000xf32, #tpu.memory_space<hbm>>) dst(%dma_wait3A_521 : memref<80xf32, #tpu.memory_space<vmem>>)
    %dma_wait3A_526 = arith.constant 1520 : i32
    %dma_wait3A_527 = tpu.memref_slice %arg13[%dma_wait3A_526] : memref<1600xf32, #tpu.memory_space<vmem>> -> memref<80xf32, #tpu.memory_space<vmem>>
    %dma_wait3A_528 = arith.constant 1520 : i32
    %dma_wait3A_529 = tpu.memref_slice %arg10[%dma_wait3A_528] : memref<1600xi32, #tpu.memory_space<vmem>> -> memref<80xi32, #tpu.memory_space<vmem>>
    %dma_wait3A_530 = arith.constant 0 : i32
    %dma_wait3A_531 = tpu.memref_slice %arg3[%dma_wait3A_530] : memref<1000000xf32, #tpu.memory_space<hbm>> -> memref<1000000xf32, #tpu.memory_space<hbm>>
    tpu.wait_indirect_dma semaphore(%arg20 : memref<!tpu.dma_semaphore, #tpu.memory_space<semaphore_mem>>) src(%dma_wait3A_531 : memref<1000000xf32, #tpu.memory_space<hbm>>) dst(%dma_wait3A_527 : memref<80xf32, #tpu.memory_space<vmem>>)
    %dma_wait3A_532 = arith.constant 1520 : i32
    %dma_wait3A_533 = tpu.memref_slice %arg14[%dma_wait3A_532] : memref<1600xf32, #tpu.memory_space<vmem>> -> memref<80xf32, #tpu.memory_space<vmem>>
    %dma_wait3A_534 = arith.constant 1520 : i32
    %dma_wait3A_535 = tpu.memref_slice %arg9[%dma_wait3A_534] : memref<1600xi32, #tpu.memory_space<vmem>> -> memref<80xi32, #tpu.memory_space<vmem>>
    %dma_wait3A_536 = arith.constant 0 : i32
    %dma_wait3A_537 = tpu.memref_slice %arg6[%dma_wait3A_536] : memref<1000xf32, #tpu.memory_space<hbm>> -> memref<1000xf32, #tpu.memory_space<hbm>>
    tpu.wait_indirect_dma semaphore(%arg21 : memref<!tpu.dma_semaphore, #tpu.memory_space<semaphore_mem>>) src(%dma_wait3A_537 : memref<1000xf32, #tpu.memory_space<hbm>>) dst(%dma_wait3A_533 : memref<80xf32, #tpu.memory_space<vmem>>)
    %broadcast_in_dim3A = arith.constant 0.000000e+00 : f32
    %broadcast_in_dim3A_538 = vector.broadcast %broadcast_in_dim3A : f32 to vector<50xf32>
    %scan3A_539 = arith.constant 0 : i32
    %scan3A_540 = arith.constant 32 : i32
    %scan3A_541 = arith.addi %scan3A_539, %scan3A_540 : i32
    %scan3A_542 = arith.constant 1 : i32
    %scan3A_543 = scf.for %scan3A_548 = %scan3A_539 to %scan3A_541 step %scan3A_542 iter_args(%scan3A_549 = %broadcast_in_dim3A_538) -> (vector<50xf32>)  : i32 {
      %mul3A_550 = arith.constant 50 : i32
      %mul3A_551 = arith.muli %scan3A_548, %mul3A_550 : i32
      %get3A = arith.index_cast %mul3A_551 : i32 to index
      %get3A_552 = tpu.vector_load %arg14[%get3A] {strides = array<i32>} : memref<1600xf32, #tpu.memory_space<vmem>>, vector<50xf32>,
      %get3A_553 = vector.shape_cast %get3A_552 : vector<50xf32> to vector<50xf32>
      %get3A_554 = arith.index_cast %mul3A_551 : i32 to index
      %get3A_555 = tpu.vector_load %arg13[%get3A_554] {strides = array<i32>} : memref<1600xf32, #tpu.memory_space<vmem>>, vector<50xf32>,
      %get3A_556 = vector.shape_cast %get3A_555 : vector<50xf32> to vector<50xf32>
      %sub3A = arith.subf %get3A_553, %get3A_556 : vector<50xf32>
      %add3A_557 = arith.addf %scan3A_549, %sub3A : vector<50xf32>
      scf.yield %add3A_557 : vector<50xf32>
    }
    %scan3A_544 = arith.constant 32 : i32
    %swap3A = arith.constant 0 : index
    %swap3A_545 = tpu.vector_load %arg15[%swap3A] {strides = array<i32>} : memref<50xf32, #tpu.memory_space<vmem>>, vector<50xf32>,
    %swap3A_546 = vector.shape_cast %swap3A_545 : vector<50xf32> to vector<50xf32>
    %swap3A_547 = vector.shape_cast %scan3A_543 : vector<50xf32> to vector<50xf32>
    tpu.vector_store %arg15[%swap3A], %swap3A_547 {strides = array<i32>} : memref<50xf32, #tpu.memory_space<vmem>>, vector<50xf32>,
    "tpu.region"() ({
      %run_scoped3A = tpu.sem_alloc : memref<!tpu.dma_semaphore, #tpu.memory_space<semaphore_mem>>
      %dma_start3A_548 = arith.constant 0 : i32
      %dma_start3A_549 = tpu.memref_slice %arg8[%add3A, %dma_start3A_548] : memref<32x50xf32, #tpu.memory_space<hbm>> -> memref<1x50xf32, #tpu.memory_space<hbm>>
      %dma_start3A_550 = tpu.memref_squeeze %dma_start3A_549 : memref<1x50xf32, #tpu.memory_space<hbm>> -> memref<50xf32, #tpu.memory_space<hbm>>
      %dma_start3A_551 = arith.constant 0 : i32
      %dma_start3A_552 = tpu.memref_slice %arg8[%add3A, %dma_start3A_551] : memref<32x50xf32, #tpu.memory_space<hbm>> -> memref<1x50xf32, #tpu.memory_space<hbm>>
      %dma_start3A_553 = tpu.memref_squeeze %dma_start3A_552 : memref<1x50xf32, #tpu.memory_space<hbm>> -> memref<50xf32, #tpu.memory_space<hbm>>
      tpu.enqueue_dma source(%arg15 : memref<50xf32, #tpu.memory_space<vmem>>) target(%dma_start3A_553 : memref<50xf32, #tpu.memory_space<hbm>>) target_semaphore(%run_scoped3A : memref<!tpu.dma_semaphore, #tpu.memory_space<semaphore_mem>>)
      %dma_wait3A_554 = arith.constant 0 : i32
      %dma_wait3A_555 = tpu.memref_slice %arg8[%add3A, %dma_wait3A_554] : memref<32x50xf32, #tpu.memory_space<hbm>> -> memref<1x50xf32, #tpu.memory_space<hbm>>
      %dma_wait3A_556 = tpu.memref_squeeze %dma_wait3A_555 : memref<1x50xf32, #tpu.memory_space<hbm>> -> memref<50xf32, #tpu.memory_space<hbm>>
      %dma_wait3A_557 = arith.constant 0 : i32
      %dma_wait3A_558 = tpu.memref_slice %arg8[%add3A, %dma_wait3A_557] : memref<32x50xf32, #tpu.memory_space<hbm>> -> memref<1x50xf32, #tpu.memory_space<hbm>>
      %dma_wait3A_559 = tpu.memref_squeeze %dma_wait3A_558 : memref<1x50xf32, #tpu.memory_space<hbm>> -> memref<50xf32, #tpu.memory_space<hbm>>
      tpu.wait_dma2 semaphore(%run_scoped3A : memref<!tpu.dma_semaphore, #tpu.memory_space<semaphore_mem>>) src(%arg15 : memref<50xf32, #tpu.memory_space<vmem>>) dst(%dma_wait3A_559 : memref<50xf32, #tpu.memory_space<hbm>>)
      tpu.yield
    }) : () -> ()
    return
  }
}

module attributes {stable_mosaic.version = 14 : i64} {
  func.func @_lse_body(%arg0: memref<1000x1000xf32, #tpu.memory_space<vmem>>, %arg1: memref<1000xf32, #tpu.memory_space<vmem>>, %arg2: memref<1000x1000xf32, #tpu.memory_space<vmem>>) attributes {dimension_semantics = [], scalar_prefetch = 0 : i64, scratch_operands = 0 : i64, tpu.core_type = #tpu.core_type<tc>} {
    %get3A = arith.constant 0 : index
    %get3A_0 = arith.constant 0 : index
    %get3A_1 = vector.load %arg0[%get3A, %get3A_0] : memref<1000x1000xf32, #tpu.memory_space<vmem>>, vector<1000x1000xf32>
    %reduce_max3A = arith.constant dense<0xFF800000> : vector<1000xf32>
    %reduce_max3A_2 = vector.multi_reduction <maximumf>, %get3A_1, %reduce_max3A [1] : vector<1000x1000xf32> to vector<1000xf32>
    %broadcast_in_dim3A = vector.shape_cast %reduce_max3A_2 : vector<1000xf32> to vector<1000x1xf32>
    %sub3A = vector.broadcast %broadcast_in_dim3A : vector<1000x1xf32> to vector<1000x1000xf32>
    %sub3A_3 = arith.subf %get3A_1, %sub3A : vector<1000x1000xf32>
    %exp3A = math.exp %sub3A_3 : vector<1000x1000xf32>
    %reduce_sum3A = arith.constant dense<0.000000e+00> : vector<1000xf32>
    %reduce_sum3A_4 = vector.multi_reduction <add>, %exp3A, %reduce_sum3A [1] : vector<1000x1000xf32> to vector<1000xf32>
    %log3A = math.log %reduce_sum3A_4 : vector<1000xf32>
    %add3A = arith.addf %reduce_max3A_2, %log3A : vector<1000xf32>
    %swap3A = arith.constant 0 : index
    %swap3A_5 = vector.load %arg1[%swap3A] : memref<1000xf32, #tpu.memory_space<vmem>>, vector<1000xf32>
    tpu.vector_store %arg1[%swap3A], %add3A {strides = array<i32>} : memref<1000xf32, #tpu.memory_space<vmem>>, vector<1000xf32>,
    %swap3A_6 = arith.constant 0 : index
    %swap3A_7 = arith.constant 0 : index
    %swap3A_8 = vector.load %arg2[%swap3A_6, %swap3A_7] : memref<1000x1000xf32, #tpu.memory_space<vmem>>, vector<1000x1000xf32>
    tpu.vector_store %arg2[%swap3A_6, %swap3A_7], %get3A_1 {strides = array<i32>} : memref<1000x1000xf32, #tpu.memory_space<vmem>>, vector<1000x1000xf32>,
    return
  }
}

module attributes {stable_mosaic.version = 14 : i64} {
  func.func @_finish_body(%arg0: memref<32x50xf32, #tpu.memory_space<vmem>>, %arg1: memref<1x1xf32, #tpu.memory_space<vmem>>) attributes {dimension_semantics = [], scalar_prefetch = 0 : i64, scratch_operands = 0 : i64, tpu.core_type = #tpu.core_type<tc>} {
    %get3A = arith.constant 0 : index
    %get3A_0 = arith.constant 0 : index
    %get3A_1 = vector.load %arg0[%get3A, %get3A_0] : memref<32x50xf32, #tpu.memory_space<vmem>>, vector<32x50xf32>
    %reduce_sum3A = vector.shape_cast %get3A_1 : vector<32x50xf32> to vector<1x32x50xf32>
    %reduce_sum3A_2 = arith.constant dense<0.000000e+00> : vector<1xf32>
    %reduce_sum3A_3 = vector.multi_reduction <add>, %reduce_sum3A, %reduce_sum3A_2 [1, 2] : vector<1x32x50xf32> to vector<1xf32>
    %reduce_sum3A_4 = vector.shape_cast %reduce_sum3A_3 : vector<1xf32> to vector<1x1x1xf32>
    %reduce_sum3A_5 = vector.extract %reduce_sum3A_4[0, 0, 0] : f32 from vector<1x1x1xf32>
    %broadcast_in_dim3A = vector.broadcast %reduce_sum3A_5 : f32 to vector<1x1xf32>
    %mul3A = arith.constant 1.95312496E-5 : f32
    %mul3A_6 = vector.broadcast %mul3A : f32 to vector<1x1xf32>
    %mul3A_7 = arith.mulf %broadcast_in_dim3A, %mul3A_6 : vector<1x1xf32>
    %swap3A = arith.constant 0 : index
    %swap3A_8 = arith.constant 0 : index
    %swap3A_9 = vector.load %arg1[%swap3A, %swap3A_8] : memref<1x1xf32, #tpu.memory_space<vmem>>, vector<1x1xf32>
    tpu.vector_store %arg1[%swap3A, %swap3A_8], %mul3A_7 {strides = array<i32>} : memref<1x1xf32, #tpu.memory_space<vmem>>, vector<1x1xf32>,
    return
  }
}

</mosaic_0001>

<sc_bundles>
// kernel: kernel.5.cloned.1.call-start
scs
__scs_entry_jumppad:
0x0: {  	(pc) =	sbr.rel $0x88, $3  }
0x1: {  	(tag) =	ssettag $0x0;
	lr =	simm.s32 $0x1  }
0x2: {  	[smem:$0x3F9E] =	sst lr;
	_ =	strace $0xD0000000  }
0x3: {  	_ = 	snop  }
0x4: {  	_ = 	snop  }
0x5: {  	_ = 	snop  }
0x6: {  	_ = 	snop  }
0x7: {  	_ = 	snop  }
__scs_overlays_trampoline_lowered:
0x8: {  	[smem:$0x3FAD] =	sst s0  }
0x9: {  	[smem:$0x3FAE] =	sst s1  }
0xa: {  	[smem:$0x3FAF] =	sst s2  }
0xb: {  	[smem:$0x3FB0] =	sst s3  }
0xc: {  	[smem:$0x3FB1] =	sst s4  }
0xd: {  	[smem:$0x3FB2] =	sst s5  }
0xe: {  	[smem:$0x3FB3] =	sst s6  }
0xf: {  	[smem:$0x3FB4] =	sst s7  }
0x10: {  	[smem:$0x3FB5] =	sst s8  }
0x11: {  	[smem:$0x3FB6] =	sst s9;
	s0 =	simm.s32 @!p0 $0x0  }
0x12: {  	s1 =	sld [smem:$0x3F9C];
	s0 =	simm.s32 @p0 $0x1  }
0x13: {  	[smem:$0x3FB7] =	sst s0;
	s0 =	simm.s32 @!p1 $0x0  }
0x14: {  	s2 =	sld [smem:$0x3F9B];
	s0 =	simm.s32 @p1 $0x1  }
0x15: {  	[smem:$0x3FB8] =	sst s0;
	s0 =	simm.s32 @!p2 $0x0  }
0x16: {  	s3 =	sld [smem:$0x3FDB];
	s0 =	simm.s32 @p2 $0x1  }
0x17: {  	s4 =	simm.s32 $0x1BF5;
	[smem:$0x3FBA] =	sst s0  }
0x18: {  	s0 =	sld [smem:$0x3F9D];
	_ =	swait.ge [sflag:s4], $0x0  }
0x19: {  	s7 =	sld [smem:$0x3F9E]  }
0x1a: {  	s8 =	sadd.s32 $0xFFFFE003, lr  }
0x1b: {  	s9 =	sadd.s32 $0xFFFFFEF7, lr;
	s5 =	simm.s32 $0xFFFFFFFF;
	p2 =	slt.u32 s8, $0xFFFFF086  }
0x1c: {  	p1 =	slt.u32 s9, $0xF7A;
	s5 =	simm.s32 @!p2 $0x0  }
0x1d: {  	s5 =	simm.s32 @p1 $0x1;
	p0 =	seq.s32 s7, s2  }
0x1e: {  	s7 =	smul.u32 @!p0 $0xF7A, s2;
	p2 =	seq.s32 @!p0 s5, $0x0  }
0x1f: {  	s9 =	smul.u32 $0xF7A, s1;
	s8 =	simm.s32 @!p0 $0x1BF5;
	p2 =	por !p2, p0  }
0x20: {  	[sflag:s8] =	ssyncset.s32 @!p0 $0xFFFFF086;
	s6 =	sadd.s32 @!p0 s3, s7;
	s7 =	simm.s32 @!p0 $0x108  }
0x21: {  	s3 =	sadd.s32 s3, s9;
	s6 =	sadd.s32 @!p0 $0x88, s6;
	s7 =	simm.s32 @p2 $0x1082  }
0x22: {  	[simem:s7], [sflag:s8] =	dma.local @!p0 [hbm:s6], $0xF7A  }
0x23: {  	s9 =	sor.u32 $0xD0000000, s2;
	s6 =	simm.s32 $0x108;
	_ =	swait.ge @!p0 [sflag:s8], $0x0  }
0x24: {  	s3 =	sadd.s32 $0x88, s3;
	s6 =	simm.s32 @!p1 $0x1082;
	[sflag:s4] =	ssyncset.s32 $0xFFFFF086  }
0x25: {  	[simem:s6], [sflag:s4] =	dma.local [hbm:s3], $0xF7A  }
0x26: {  	[smem:$0x3F9E] =	sst s1;
	(tag) =	ssettag s2;
	_ =	strace s9  }
0x27: {  	s1 =	sld [smem:$0x3FAE]  }
0x28: {  	s2 =	sld [smem:$0x3FAF]  }
0x29: {  	s4 =	sld [smem:$0x3FB1]  }
0x2a: {  	p0 =	seq.s32 s5, $0x0;
	s5 =	sld [smem:$0x3FB2]  }
0x2b: {  	s6 =	sld [smem:$0x3FB3]  }
0x2c: {  	s7 =	sld [smem:$0x3FB4]  }
0x2d: {  	s3 =	simm.s32 $0x108;
	s8 =	sld [smem:$0x3FB5]  }
0x2e: {  	s3 =	simm.s32 @!p0 $0x1082;
	s9 =	sld [smem:$0x3FB6]  }
0x2f: {  	lr =	sadd.s32 s0, s3;
	s0 =	sld [smem:$0x3FAD]  }
0x30: {  	s3 =	sld [smem:$0x3FB0]  }
0x31: {  	[smem:$0x3FB9] =	sst s10  }
0x32: {  	s10 =	sld [smem:$0x3FB7];
	_ =	sdelay $0x3  }
0x33: {  	p0 =	seq.s32 s10, $0x1;
	s10 =	sld [smem:$0x3FB9];
	_ =	sdelay $0x3  }
0x34: {  	[smem:$0x3FB9] =	sst s10  }
0x35: {  	s10 =	sld [smem:$0x3FB8];
	_ =	sdelay $0x3  }
0x36: {  	p1 =	seq.s32 s10, $0x1;
	s10 =	sld [smem:$0x3FB9];
	_ =	sdelay $0x3  }
0x37: {  	[smem:$0x3FB9] =	sst s10  }
0x38: {  	s10 =	sld [smem:$0x3FBA]  }
0x39: {  	_ = 	snop;
	(pc) =	sbr.ind lr, $3  }
0x3a: {  	_ = 	snop  }
0x3b: {  	_ = 	snop  }
0x3c: {  	p2 =	seq.s32 s10, $0x1;
	s10 =	sld [smem:$0x3FB9]  }
0x3d: {  	_ =	shalt  }
0x3e: {  	_ =	shalt  }
0x3f: {  	_ =	shalt  }
0x40: {  	_ =	shalt  }
0x41: {  	_ =	shalt  }
0x42: {  	_ =	shalt  }
0x43: {  	_ =	shalt  }
0x44: {  	_ =	shalt  }
0x45: {  	_ =	shalt  }
0x46: {  	_ =	shalt  }
0x47: {  	_ =	shalt  }
0x48: {  	_ =	shalt  }
0x49: {  	_ =	shalt  }
0x4a: {  	_ =	shalt  }
0x4b: {  	_ =	shalt  }
0x4c: {  	_ =	shalt  }
0x4d: {  	_ =	shalt  }
0x4e: {  	_ =	shalt  }
0x4f: {  	_ =	shalt  }
0x50: {  	_ =	shalt  }
0x51: {  	_ =	shalt  }
0x52: {  	_ =	shalt  }
0x53: {  	_ =	shalt  }
0x54: {  	_ =	shalt  }
0x55: {  	_ =	shalt  }
0x56: {  	_ =	shalt  }
0x57: {  	_ =	shalt  }
0x58: {  	_ =	shalt  }
0x59: {  	_ =	shalt  }
0x5a: {  	_ =	shalt  }
0x5b: {  	_ =	shalt  }
0x5c: {  	_ =	shalt  }
0x5d: {  	_ =	shalt  }
0x5e: {  	_ =	shalt  }
0x5f: {  	_ =	shalt  }
0x60: {  	_ =	shalt  }
0x61: {  	_ =	shalt  }
0x62: {  	_ =	shalt  }
0x63: {  	_ =	shalt  }
0x64: {  	_ =	shalt  }
0x65: {  	_ =	shalt  }
0x66: {  	_ =	shalt  }
0x67: {  	_ =	shalt  }
0x68: {  	_ =	shalt  }
0x69: {  	_ =	shalt  }
0x6a: {  	_ =	shalt  }
0x6b: {  	_ =	shalt  }
0x6c: {  	_ =	shalt  }
0x6d: {  	_ =	shalt  }
0x6e: {  	_ =	shalt  }
0x6f: {  	_ =	shalt  }
0x70: {  	_ =	shalt  }
0x71: {  	_ =	shalt  }
0x72: {  	_ =	shalt  }
0x73: {  	_ =	shalt  }
0x74: {  	_ =	shalt  }
0x75: {  	_ =	shalt  }
0x76: {  	_ =	shalt  }
0x77: {  	_ =	shalt  }
0x78: {  	_ =	shalt  }
0x79: {  	_ =	shalt  }
0x7a: {  	_ =	shalt  }
0x7b: {  	_ =	shalt  }
0x7c: {  	_ =	shalt  }
0x7d: {  	_ =	shalt  }
0x7e: {  	_ =	shalt  }
0x7f: {  	_ =	shalt  }
0x80: {  	_ =	shalt  }
0x81: {  	_ =	shalt  }
0x82: {  	_ =	shalt  }
0x83: {  	_ =	shalt  }
0x84: {  	_ =	shalt  }
0x85: {  	_ =	shalt  }
0x86: {  	_ =	shalt  }
0x87: {  	_ =	shalt  }
.Lfunc_end0:
.L_simem_size_0:
called_computation.1_lowered:
.L_overlay_start_0:
0x88: {  	s2 =	sld [smem:$0x3FD9]  }
0x89: {  	s3 =	sld [smem:$0x3FFE];
	_ =	sdelay $0x1  }
0x8a: {  	s1 =	srdreg.scid  }
0x8b: {  	s0 =	sand.u32 $0x1, s1  }
0x8c: {  	s14 =	sshll.u32 s0, $0xA;
	s2 =	sadd.s32 s3, s2  }
0x8d: {  	s2 =	sadd.s32 s2, s14  }
0x8e: {  	[smem:$0x3FC5] =	sst s2  }
0x8f: {  	_ = 	snop  }
0x90: {  	s2 =	sld [smem:$0x3FD0];
	_ =	sdelay $0x2  }
0x91: {  	s15 =	simm.s32 $0xA;
	s4 =	simm.s32 $0x10  }
0x92: {  	[smem:s4], [sflag:s15] =	dma.local [hbm:s2], $0x1  }
0x93: {  	_ =	swait.eq [sflag:s15], $0x1  }
0x94: {  	[sflag:s15] =	ssyncset.done $0x0  }
0x95: {  	[sflag:s15] =	ssyncadd.s32 $0xFFFFFFFF  }
0x96: {  	s16 =	sld [smem:$0x10];
	(tm) =	ssettm $0x1  }
0x97: {  	s17 =	sld [smem:$0x3FFB];
	_ =	sdelay $0x3  }
0x98: {  	_ =	strace s17  }
0x99: {  	s3 =	sld [smem:$0x3FFC];
	_ =	sdelay $0x3  }
0x9a: {  	_ =	strace s3  }
0x9b: {  	s3 =	sld [smem:$0x3FFD];
	_ =	sdelay $0x3  }
0x9c: {  	_ =	strace s3  }
0x9d: {  	_ =	strace $0x8FFFFFFF  }
0x9e: {  	s18 =	sld [smem:$0x3FDB];
	_ =	sdelay $0x1  }
0x9f: {  	s19 =	simm.s32 $_scs_section_size  }
0xa0: {  	s5 =	simm.s32 $_size__tile_overlayer_lowered;
	s6 =	simm.s32 $_tile_overlayer_lowered  }
0xa1: {  	s22 =	simm.s32 $0x1BFF;
	s21 =	sshll.u32 s6, $0x1;
	s3 =	sadd.s32 s19, s18  }
0xa2: {  	s7 =	simm.s32 $0x0;
	s20 =	sshll.u32 s5, $0x1;
	s5 =	sadd.s32 s21, s3  }
0xa3: {  	[timem:s7], [sflag:s22] =	dma.local [hbm:s5], s20  }
0xa4: {  	_ =	swait.ge [sflag:s22], s20  }
0xa5: {  	s4 =	ssub.s32 $0x0, s20;
	[sflag:s22] =	ssyncset.done $0x0  }
0xa6: {  	[sflag:s22] =	ssyncadd.s32 s4;
	_ =	sdelay $0x1  }
0xa7: {  	s23 =	simm.s32 $0x1B8B  }
0xa8: {  	_ =	swait.ge [sflag:s23], $0x1  }
0xa9: {  	[sflag:s23] =	ssyncset.done $0x0  }
0xaa: {  	s25 =	simm.s32 $0x1B8E;
	s24 =	sld [smem:$0x3FFE];
	[sflag:s23] =	ssyncadd.s32 $0xFFFFFFFF  }
0xab: {  	s26 =	simm.s32 $execute0_lowered;
	[smem:$0x3FD2] =	sst s25  }
0xac: {  	s5 =	sshll.u32 s26, $0x1;
	_ =	strace $0x80000046;
	[dreg:$0x1] =	wrdreg $0xFFFFFFFF  }
0xad: {  	s28 =	simm.s32 $_size_execute0_lowered;
	s3 =	sadd.s32 s3, s5;
	[dreg:$0x0] =	wrdreg $0x0  }
0xae: {  	s5 =	sshll.u32 s28, $0x1;
	[dreg:$0x2] =	wrdreg s3  }
0xaf: {  	[dreg:$0x3] =	wrdreg s5  }
0xb0: {  	[dreg:$0x4] =	wrdreg $0xC0  }
0xb1: {  	_ =	task [dreg:s7], $0x5FFFF  }
0xb2: {  	[dreg:$0x1] =	wrdreg $0xFFFFFFFF  }
0xb3: {  	[dreg:$0x0] =	wrdreg $0x60  }
0xb4: {  	[dreg:$0x2] =	wrdreg s24  }
0xb5: {  	[dreg:$0x3] =	wrdreg s16  }
0xb6: {  	[dreg:$0x4] =	wrdreg $0x9  }
0xb7: {  	_ =	task.clear_ibuf [dreg:s7], $0x5FFFF;
	_ =	strace $0x90000046  }
0xb8: {  	s29 =	simm.s32 $0x9;
	_ =	strace $0x80000048  }
0xb9: {  	_ =	swait.ge [sflag:s29], $0x1  }
0xba: {  	[sflag:s29] =	ssyncadd.s32 $0xFFFFFFFF  }
0xbb: {  	_ =	strace $0x90000048  }
0xbc: {  	_ =	sfence  }
0xbd: {  	s30 =	sld [smem:$0x0];
	_ =	sdelay $0x2  }
0xbe: {  	s31 =	sshll.u32 s1, $0xD;
	s1 =	sshrl.u32 s1, $0x2  }
0xbf: {  	s3 =	sand.u32 $0x4000, s31;
	s1 =	sadd.s32 s1, s30  }
0xc0: {  	s0 =	sor.u32 s3, s0;
	s1 =	sshll.u32 s1, $0x11  }
0xc1: {  	s0 =	sor.u32 s1, s0  }
0xc2: {  	s0 =	sadd.s32 $0x8F2B, s0  }
0xc3: {  	[sflag:s0] =	ssyncadd.remote.s32 $0x1  }
0xc4: {  	_ =	sfence.sel $0xFFFF  }
0xc5: {  	[dreg:$0x0] =	wrdreg $0xFFFFFFFF;
	(pc) =	sbr.abs _section_cstart, $3  }
0xc6: {  	[dreg:$0x1] =	wrdreg $0xFFFFFFFF  }
0xc7: {  	_ =	task.clear_ibuf [dreg:s7], $0x2FFFF;
	_ =	strace $0x9FFFFFFF  }
0xc8: {  	(tm) =	ssettm $0x7FFFFFFF  }
0xc9: {  	_ =	shalt  }
tec
execute0_lowered:
.L_overlay_start_1:
0x0: {  	(tag) =	ssettag $0x1  }
0x1: {  	s0 =	rddreg [dreg:$0x0];
	s1 =	srdreg.scid  }
0x2: {  	s13 =	stileid.u32;
	s10 =	rddreg [dreg:$0x1];
	s2 =	simm.s32 $0x0  }
0x3: {  	s14 =	simm.s32 $0x50;
	s15 =	simm.s32 $0x640;
	s28 =	simm.s32 $0xA8C0  }
0x4: {  	s29 =	simm.s32 $0x1;
	s30 =	simm.s32 $0x2;
	s31 =	simm.s32 $0x3  }
0x5: {  	s16 =	simm.s32 $0x6;
	s18 =	simm.s32 $0x15180;
	s19 =	simm.s32 $0x0  }
0x6: {  	s1 =	sand.u32 $0x1, s1;
	s3 =	sshll.u32 s13, $0x1;
	s25 =	smul.u32 $0x61A80, s13  }
0x7: {  	s6 =	sor.u32 s1, s3;
	s9 =	ssub.s32 $0x2, s1;
	s1 =	smul.u32 $0x30D40, s1  }
0x8: {  	[smem:$0x7FF] =	sst s2;
	s4 =	sadd.s32 $0x23800, s0;
	s5 =	smul.u32 $0x640, s6  }
0x9: {  	s13 =	simm.s32 $0x7;
	_ =	strace $0x80000047;
	s8 =	smul.u32 $0x7, s6  }
0xa: {  	s3 =	sadd.s32 $0x1800, s0;
	s11 =	sshrl.u32 s9, $0x1;
	s12 =	smul.u32 $0x186A00, s6  }
0xb: {  	s23 =	smul.u32 $0x30D40, s6;
	s11 =	ssub.s32 s9, s11;
	s5 =	sshrl.u32 s5, $0x3  }
0xc: {  	s24 =	sshrl.u32 s12, $0x3;
	s12 =	sadd.s32 s25, s10;
	s11 =	smax.u32 s11, $0x1  }
0xd: {  	s25 =	simm.s32 $0x28;
	s7 =	sadd.s32 s5, s0;
	s5 =	sadd.s32 $0x20200, s0  }
0xe: {  	s0 =	sadd.s32 s8, s0;
	s9 =	sadd.s32 s10, s24;
	s8 =	sadd.s32 s10, s23  }
0xf: {  	s26 =	sadd.s32 s1, s12;
	s1 =	simm.s32 $0x4;
	s6 =	sadd.s32 $0x20400, s7  }
0x10: {  	s7 =	sadd.s32 $0x21E00, s7;
	s9 =	sadd.s32 $0x2F9B8, s9;
	s10 =	sadd.s32 $0x42200, s0  }
0x11: {  	s12 =	sadd.s32 $0x1388, s26;
	s26 =	simm.s32 $0xC80;
	s0 =	simm.s32 $0x5  }
.LBB2_1:
0x12: {  	[tilespmem:s2], [sflag:$0x7] =	stream.linear.gather [hbm4b:s6+s2], $0x640, $0x38;
	[tilespmem:$0x151B8] =	vst v63  }
0x13: {  	_ =	swait.ge [sflag:s13], $0x640  }
0x14: {  	[sflag:s13] =	ssyncset.done $0x0  }
0x15: {  	[sflag:s13] =	ssyncadd.s32 $0xFFFFF9C0  }
0x16: {  	[tilespmem:s15], [sflag:$0x7] =	stream.linear.gather [hbm4b:s7+s2], $0x640, $0x38;
	[tilespmem:$0x151B8] =	vst v63  }
0x17: {  	_ =	swait.ge [sflag:s13], $0x640  }
0x18: {  	[sflag:s13] =	ssyncset.done $0x0  }
0x19: {  	s20 =	sand.u32 $0x7FE, s2;
	[sflag:s13] =	ssyncadd.s32 $0xFFFFF9C0  }
0x1a: {  	v2 =	vld.msk [tilespmem:s20+$0x30], $0x3  }
0x1b: {  	v0 =	vld.msk [tilespmem:s20+$0x670], $0x3  }
0x1c: {  	v3 =	vld [tilespmem:s20+$0x10]  }
0x1d: {  	v7 =	vld [tilespmem:s2+$0x0]  }
0x1e: {  	v5 =	vld [tilespmem:s20+$0x20]  }
0x1f: {  	v6 =	vld [tilespmem:s15+$0x0]  }
0x20: {  	s21 =	simm.s32 $0x32;
	v1 =	vld [tilespmem:s20+$0x660]  }
0x21: {  	s23 =	simm.s32 $0x0;
	s24 =	simm.s32 $0x640;
	s22 =	simm.s32 $0x640;
	v4 =	vmul.u32 $0x3E8, v2;
	v2 =	vmul.u32 $0x3E8, v3;
	v3 =	vld [tilespmem:s20+$0x650]  }
.LBB2_2:
0x22: {  	p0 =	sne.s32 s21, $0x60E;
	v7 =	vmul.u32 $0x3E8, v7;
	s23 =	sadd.s32 $0x32, s23;
	s24 =	sadd.s32 $0x32, s24  }
0x23: {  	s17 =	smov.u32 s21;
	s21 =	sadd.s32 $0x32, s21;
	v5 =	vmul.u32 $0x3E8, v5  }
0x24: {  	v6 =	vadd.s32 v7, v6  }
0x25: {  	v0 =	vadd.s32 v4, v0;
	s17 =	sand.u32 $0x7FE, s17;
	v1 =	vadd.s32 v5, v1;
	[tilespmem:s22+$0x0] =	vst v6;
	s22 =	smov.u32 s24  }
0x26: {  	v4 =	vld.msk [tilespmem:s17+$0x30], $0x3;
	v2 =	vadd.s32 v2, v3;
	[tilespmem:s20+$0x670] =	vst.msk $0x3, v0  }
0x27: {  	v0 =	vld.msk [tilespmem:s17+$0x670], $0x3;
	[tilespmem:s20+$0x650] =	vst v2  }
0x28: {  	v2 =	vld [tilespmem:s17+$0x10];
	[tilespmem:s20+$0x660] =	vst v1;
	s20 =	smov.u32 s17  }
.Ltmp0:
0x29: {  	v7 =	vld [tilespmem:s23+$0x0];
	(pc) =	sbr.rel @p0 .LBB2_2-.Ltmp0, $4  }
0x2a: {  	v5 =	vld [tilespmem:s20+$0x20]  }
0x2b: {  	v6 =	vld [tilespmem:s24+$0x0]  }
0x2c: {  	v4 =	vmul.u32 $0x3E8, v4;
	v1 =	vld [tilespmem:s20+$0x660]  }
0x2d: {  	v2 =	vmul.u32 $0x3E8, v2;
	v3 =	vld [tilespmem:s20+$0x650]  }
0x2e: {  	v7 =	vmul.u32 $0x3E8, v7;
	_ =	sdelay $0x1  }
0x2f: {  	v5 =	vmul.u32 $0x3E8, v5;
	v6 =	vadd.s32 v7, v6  }
0x30: {  	v0 =	vadd.s32 v4, v0;
	[tilespmem:s22+$0x0] =	vst v6  }
0x31: {  	v63 =	vadd.s32 v5, v1;
	[tilespmem:s20+$0x670] =	vst.msk $0x3, v0  }
0x32: {  	v2 =	vadd.s32 v2, v3;
	[tilespmem:s20+$0x660] =	vst v63  }
0x33: {  	s17 =	simm.s32 $0x14500;
	[tilespmem:s20+$0x650] =	vst v2  }
0x34: {  	[tilespmem:s17], [sflag:$0x5] =	stream.indirect.gather [hbm4b:s4+s14], $0x1, s15, s14, $0xb8;
	[tilespmem:$0x151B8] =	vst v63  }
0x35: {  	s23 =	simm.s32 $0x14B40;
	s17 =	simm.s32 $0x0  }
0x36: {  	[tilespmem:s23], [sflag:$0x6] =	stream.indirect.gather [hbm4b:s5+s14], $0x1, s17, s14, $0xb8;
	[tilespmem:$0x151B8] =	vst v63  }
0x37: {  	s24 =	simm.s32 $0x690;
	s21 =	simm.s32 $0x14550  }
0x38: {  	[tilespmem:s21], [sflag:$0x5] =	stream.indirect.gather [hbm4b:s4+s14], $0x1, s24, s14, $0xb8;
	[tilespmem:$0x151B8] =	vst v63  }
0x39: {  	s22 =	simm.s32 $0x14B90  }
0x3a: {  	[tilespmem:s22], [sflag:$0x6] =	stream.indirect.gather [hbm4b:s5+s14], $0x1, s14, s14, $0xb8;
	[tilespmem:$0x151B8] =	vst v63  }
0x3b: {  	s23 =	simm.s32 $0x6E0;
	s24 =	simm.s32 $0x145A0  }
0x3c: {  	[tilespmem:s24], [sflag:$0x5] =	stream.indirect.gather [hbm4b:s4+s14], $0x1, s23, s14, $0xb8;
	[tilespmem:$0x151B8] =	vst v63  }
0x3d: {  	s21 =	simm.s32 $0xA0;
	s22 =	simm.s32 $0x14BE0  }
0x3e: {  	[tilespmem:s22], [sflag:$0x6] =	stream.indirect.gather [hbm4b:s5+s14], $0x1, s21, s14, $0xb8;
	[tilespmem:$0x151B8] =	vst v63  }
0x3f: {  	s23 =	simm.s32 $0x730;
	s24 =	simm.s32 $0x145F0  }
0x40: {  	[tilespmem:s24], [sflag:$0x5] =	stream.indirect.gather [hbm4b:s4+s14], $0x1, s23, s14, $0xb8;
	[tilespmem:$0x151B8] =	vst v63  }
0x41: {  	s21 =	simm.s32 $0xF0;
	s22 =	simm.s32 $0x14C30  }
0x42: {  	[tilespmem:s22], [sflag:$0x6] =	stream.indirect.gather [hbm4b:s5+s14], $0x1, s21, s14, $0xb8;
	[tilespmem:$0x151B8] =	vst v63  }
0x43: {  	s23 =	simm.s32 $0x780;
	s24 =	simm.s32 $0x14640  }
0x44: {  	[tilespmem:s24], [sflag:$0x5] =	stream.indirect.gather [hbm4b:s4+s14], $0x1, s23, s14, $0xb8;
	[tilespmem:$0x151B8] =	vst v63  }
0x45: {  	s21 =	simm.s32 $0x140;
	s22 =	simm.s32 $0x14C80  }
0x46: {  	[tilespmem:s22], [sflag:$0x6] =	stream.indirect.gather [hbm4b:s5+s14], $0x1, s21, s14, $0xb8;
	[tilespmem:$0x151B8] =	vst v63  }
0x47: {  	s23 =	simm.s32 $0x7D0;
	s24 =	simm.s32 $0x14690  }
0x48: {  	[tilespmem:s24], [sflag:$0x5] =	stream.indirect.gather [hbm4b:s4+s14], $0x1, s23, s14, $0xb8;
	[tilespmem:$0x151B8] =	vst v63  }
0x49: {  	s21 =	simm.s32 $0x190;
	s22 =	simm.s32 $0x14CD0  }
0x4a: {  	[tilespmem:s22], [sflag:$0x6] =	stream.indirect.gather [hbm4b:s5+s14], $0x1, s21, s14, $0xb8;
	[tilespmem:$0x151B8] =	vst v63  }
0x4b: {  	s23 =	simm.s32 $0x820;
	s24 =	simm.s32 $0x146E0  }
0x4c: {  	[tilespmem:s24], [sflag:$0x5] =	stream.indirect.gather [hbm4b:s4+s14], $0x1, s23, s14, $0xb8;
	[tilespmem:$0x151B8] =	vst v63  }
0x4d: {  	s21 =	simm.s32 $0x1E0;
	s22 =	simm.s32 $0x14D20  }
0x4e: {  	[tilespmem:s22], [sflag:$0x6] =	stream.indirect.gather [hbm4b:s5+s14], $0x1, s21, s14, $0xb8;
	[tilespmem:$0x151B8] =	vst v63  }
0x4f: {  	s23 =	simm.s32 $0x870;
	s24 =	simm.s32 $0x14730  }
0x50: {  	[tilespmem:s24], [sflag:$0x5] =	stream.indirect.gather [hbm4b:s4+s14], $0x1, s23, s14, $0xb8;
	[tilespmem:$0x151B8] =	vst v63  }
0x51: {  	s21 =	simm.s32 $0x230;
	s22 =	simm.s32 $0x14D70  }
0x52: {  	[tilespmem:s22], [sflag:$0x6] =	stream.indirect.gather [hbm4b:s5+s14], $0x1, s21, s14, $0xb8;
	[tilespmem:$0x151B8] =	vst v63  }
0x53: {  	s23 =	simm.s32 $0x8C0;
	s24 =	simm.s32 $0x14780  }
0x54: {  	[tilespmem:s24], [sflag:$0x5] =	stream.indirect.gather [hbm4b:s4+s14], $0x1, s23, s14, $0xb8;
	[tilespmem:$0x151B8] =	vst v63  }
0x55: {  	s21 =	simm.s32 $0x280;
	s22 =	simm.s32 $0x14DC0  }
0x56: {  	[tilespmem:s22], [sflag:$0x6] =	stream.indirect.gather [hbm4b:s5+s14], $0x1, s21, s14, $0xb8;
	[tilespmem:$0x151B8] =	vst v63  }
0x57: {  	s23 =	simm.s32 $0x910;
	s24 =	simm.s32 $0x147D0  }
0x58: {  	[tilespmem:s24], [sflag:$0x5] =	stream.indirect.gather [hbm4b:s4+s14], $0x1, s23, s14, $0xb8;
	[tilespmem:$0x151B8] =	vst v63  }
0x59: {  	s21 =	simm.s32 $0x2D0;
	s22 =	simm.s32 $0x14E10  }
0x5a: {  	[tilespmem:s22], [sflag:$0x6] =	stream.indirect.gather [hbm4b:s5+s14], $0x1, s21, s14, $0xb8;
	[tilespmem:$0x151B8] =	vst v63  }
0x5b: {  	s23 =	simm.s32 $0x960;
	s24 =	simm.s32 $0x14820  }
0x5c: {  	[tilespmem:s24], [sflag:$0x5] =	stream.indirect.gather [hbm4b:s4+s14], $0x1, s23, s14, $0xb8;
	[tilespmem:$0x151B8] =	vst v63  }
0x5d: {  	s21 =	simm.s32 $0x320;
	s22 =	simm.s32 $0x14E60  }
0x5e: {  	[tilespmem:s22], [sflag:$0x6] =	stream.indirect.gather [hbm4b:s5+s14], $0x1, s21, s14, $0xb8;
	[tilespmem:$0x151B8] =	vst v63  }
0x5f: {  	s23 =	simm.s32 $0x9B0;
	s24 =	simm.s32 $0x14870  }
0x60: {  	[tilespmem:s24], [sflag:$0x5] =	stream.indirect.gather [hbm4b:s4+s14], $0x1, s23, s14, $0xb8;
	[tilespmem:$0x151B8] =	vst v63  }
0x61: {  	s21 =	simm.s32 $0x370;
	s22 =	simm.s32 $0x14EB0  }
0x62: {  	[tilespmem:s22], [sflag:$0x6] =	stream.indirect.gather [hbm4b:s5+s14], $0x1, s21, s14, $0xb8;
	[tilespmem:$0x151B8] =	vst v63  }
0x63: {  	s23 =	simm.s32 $0xA00;
	s24 =	simm.s32 $0x148C0  }
0x64: {  	[tilespmem:s24], [sflag:$0x5] =	stream.indirect.gather [hbm4b:s4+s14], $0x1, s23, s14, $0xb8;
	[tilespmem:$0x151B8] =	vst v63  }
0x65: {  	s21 =	simm.s32 $0x3C0;
	s22 =	simm.s32 $0x14F00  }
0x66: {  	[tilespmem:s22], [sflag:$0x6] =	stream.indirect.gather [hbm4b:s5+s14], $0x1, s21, s14, $0xb8;
	[tilespmem:$0x151B8] =	vst v63  }
0x67: {  	s23 =	simm.s32 $0xA50;
	s24 =	simm.s32 $0x14910  }
0x68: {  	[tilespmem:s24], [sflag:$0x5] =	stream.indirect.gather [hbm4b:s4+s14], $0x1, s23, s14, $0xb8;
	[tilespmem:$0x151B8] =	vst v63  }
0x69: {  	s21 =	simm.s32 $0x410;
	s22 =	simm.s32 $0x14F50  }
0x6a: {  	[tilespmem:s22], [sflag:$0x6] =	stream.indirect.gather [hbm4b:s5+s14], $0x1, s21, s14, $0xb8;
	[tilespmem:$0x151B8] =	vst v63  }
0x6b: {  	s23 =	simm.s32 $0xAA0;
	s24 =	simm.s32 $0x14960  }
0x6c: {  	[tilespmem:s24], [sflag:$0x5] =	stream.indirect.gather [hbm4b:s4+s14], $0x1, s23, s14, $0xb8;
	[tilespmem:$0x151B8] =	vst v63  }
0x6d: {  	s21 =	simm.s32 $0x460;
	s22 =	simm.s32 $0x14FA0  }
0x6e: {  	[tilespmem:s22], [sflag:$0x6] =	stream.indirect.gather [hbm4b:s5+s14], $0x1, s21, s14, $0xb8;
	[tilespmem:$0x151B8] =	vst v63  }
0x6f: {  	s23 =	simm.s32 $0xAF0;
	s24 =	simm.s32 $0x149B0  }
0x70: {  	[tilespmem:s24], [sflag:$0x5] =	stream.indirect.gather [hbm4b:s4+s14], $0x1, s23, s14, $0xb8;
	[tilespmem:$0x151B8] =	vst v63  }
0x71: {  	s21 =	simm.s32 $0x4B0;
	s22 =	simm.s32 $0x14FF0  }
0x72: {  	[tilespmem:s22], [sflag:$0x6] =	stream.indirect.gather [hbm4b:s5+s14], $0x1, s21, s14, $0xb8;
	[tilespmem:$0x151B8] =	vst v63  }
0x73: {  	s23 =	simm.s32 $0xB40;
	s24 =	simm.s32 $0x14A00  }
0x74: {  	[tilespmem:s24], [sflag:$0x5] =	stream.indirect.gather [hbm4b:s4+s14], $0x1, s23, s14, $0xb8;
	[tilespmem:$0x151B8] =	vst v63  }
0x75: {  	s21 =	simm.s32 $0x500;
	s22 =	simm.s32 $0x15040  }
0x76: {  	[tilespmem:s22], [sflag:$0x6] =	stream.indirect.gather [hbm4b:s5+s14], $0x1, s21, s14, $0xb8;
	[tilespmem:$0x151B8] =	vst v63  }
0x77: {  	s23 =	simm.s32 $0xB90;
	s24 =	simm.s32 $0x14A50  }
0x78: {  	[tilespmem:s24], [sflag:$0x5] =	stream.indirect.gather [hbm4b:s4+s14], $0x1, s23, s14, $0xb8;
	[tilespmem:$0x151B8] =	vst v63  }
0x79: {  	s21 =	simm.s32 $0x550;
	s22 =	simm.s32 $0x15090  }
0x7a: {  	[tilespmem:s22], [sflag:$0x6] =	stream.indirect.gather [hbm4b:s5+s14], $0x1, s21, s14, $0xb8;
	[tilespmem:$0x151B8] =	vst v63  }
0x7b: {  	s23 =	simm.s32 $0xBE0;
	s24 =	simm.s32 $0x14AA0  }
0x7c: {  	[tilespmem:s24], [sflag:$0x5] =	stream.indirect.gather [hbm4b:s4+s14], $0x1, s23, s14, $0xb8;
	[tilespmem:$0x151B8] =	vst v63  }
0x7d: {  	s21 =	simm.s32 $0x5A0;
	s22 =	simm.s32 $0x150E0  }
0x7e: {  	[tilespmem:s22], [sflag:$0x6] =	stream.indirect.gather [hbm4b:s5+s14], $0x1, s21, s14, $0xb8;
	[tilespmem:$0x151B8] =	vst v63  }
0x7f: {  	s23 =	simm.s32 $0xC30;
	s24 =	simm.s32 $0x14AF0  }
0x80: {  	[tilespmem:s24], [sflag:$0x5] =	stream.indirect.gather [hbm4b:s4+s14], $0x1, s23, s14, $0xb8;
	[tilespmem:$0x151B8] =	vst v63  }
0x81: {  	s21 =	simm.s32 $0x5F0;
	s22 =	simm.s32 $0x15130  }
0x82: {  	[tilespmem:s22], [sflag:$0x6] =	stream.indirect.gather [hbm4b:s5+s14], $0x1, s21, s14, $0xb8;
	[tilespmem:$0x151B8] =	vst v63  }
0x83: {  	_ = 	snop  }
0x84: {  	[tilespmem:s26], [sflag:$0x1] =	stream.indirect.gather [hbm4b:s3+s25], $0x3E8, s17, s25, $0xb8;
	[tilespmem:$0x151B8] =	vst v63  }
0x85: {  	_ = 	snop  }
0x86: {  	[tilespmem:s28], [sflag:$0x2] =	stream.indirect.gather [hbm4b:s3+s25], $0x3E8, s25, s25, $0xb8;
	[tilespmem:$0x151B8] =	vst v63  }
0x87: {  	_ =	swait.ge [sflag:s29], $0x9C40  }
0x88: {  	[sflag:s29] =	ssyncset.done $0x0  }
0x89: {  	[sflag:s29] =	ssyncadd.s32 $0xFFFF63C0  }
0x8a: {  	[hbm4b:s8+s17] =	stream.linear.scatter [tilespmem:s26], [sflag:$0x3], $0x9C40, $0x38;
	[tilespmem:$0x151B8] =	vst v63  }
0x8b: {  	_ =	swait.ge [sflag:s30], $0x9C40  }
0x8c: {  	[sflag:s30] =	ssyncset.done $0x0  }
0x8d: {  	[sflag:s30] =	ssyncadd.s32 $0xFFFF63C0  }
0x8e: {  	_ =	swait.ge [sflag:s31], $0x9C40  }
0x8f: {  	[sflag:s31] =	ssyncset.done $0x0  }
0x90: {  	s23 =	simm.s32 $0x50;
	[sflag:s31] =	ssyncadd.s32 $0xFFFF63C0  }
0x91: {  	[tilespmem:s26], [sflag:$0x1] =	stream.indirect.gather [hbm4b:s3+s25], $0x3E8, s23, s25, $0xb8;
	[tilespmem:$0x151B8] =	vst v63  }
0x92: {  	_ = 	snop  }
0x93: {  	[hbm4b:s12+s2] =	stream.linear.scatter [tilespmem:s28], [sflag:$0x4], $0x9C40, $0x38;
	[tilespmem:$0x151B8] =	vst v63  }
0x94: {  	_ =	swait.ge [sflag:s29], $0x9C40  }
0x95: {  	[sflag:s29] =	ssyncset.done $0x0  }
0x96: {  	[sflag:s29] =	ssyncadd.s32 $0xFFFF63C0  }
0x97: {  	_ =	swait.ge [sflag:s1], $0x9C40  }
0x98: {  	s20 =	simm.s32 $0x140;
	s24 =	simm.s32 $0x78;
	[sflag:s1] =	ssyncset.done $0x0  }
0x99: {  	s22 =	sadd.s32 $0x1388, s12;
	s21 =	sadd.s32 $0x2710, s12;
	[sflag:s1] =	ssyncadd.s32 $0xFFFF63C0  }
0x9a: {  	[tilespmem:s28], [sflag:$0x2] =	stream.indirect.gather [hbm4b:s3+s25], $0x3E8, s24, s25, $0xb8;
	[tilespmem:$0x151B8] =	vst v63  }
.LBB2_4:
0x9b: {  	[hbm4b:s22+s2] =	stream.linear.scatter [tilespmem:s26], [sflag:$0x3], $0x9C40, $0x38;
	[tilespmem:$0x151B8] =	vst v63  }
0x9c: {  	s17 =	smov.u32 s20  }
0x9d: {  	p0 =	sne.s32 s20, $0x1680;
	s20 =	sadd.s32 $0x140, s20;
	_ =	swait.ge [sflag:s30], $0x9C40  }
0x9e: {  	[sflag:s30] =	ssyncset.done $0x0  }
0x9f: {  	[sflag:s30] =	ssyncadd.s32 $0xFFFF63C0  }
0xa0: {  	_ =	swait.ge [sflag:s31], $0x9C40  }
0xa1: {  	s17 =	sshra.s32 s17, $0x2;
	[sflag:s31] =	ssyncset.done $0x0  }
0xa2: {  	s22 =	sadd.s32 $0x50, s17;
	[sflag:s31] =	ssyncadd.s32 $0xFFFF63C0  }
0xa3: {  	[tilespmem:s26], [sflag:$0x1] =	stream.indirect.gather [hbm4b:s3+s25], $0x3E8, s22, s25, $0xb8;
	[tilespmem:$0x151B8] =	vst v63  }
0xa4: {  	_ = 	snop  }
0xa5: {  	[hbm4b:s21+s2] =	stream.linear.scatter [tilespmem:s28], [sflag:$0x4], $0x9C40, $0x38;
	[tilespmem:$0x151B8] =	vst v63  }
0xa6: {  	_ =	swait.ge [sflag:s29], $0x9C40  }
0xa7: {  	[sflag:s29] =	ssyncset.done $0x0  }
0xa8: {  	[sflag:s29] =	ssyncadd.s32 $0xFFFF63C0  }
.Ltmp1:
0xa9: {  	_ =	swait.ge [sflag:s1], $0x9C40;
	(pc) =	sbr.rel @p0 .LBB2_4-.Ltmp1, $4  }
0xaa: {  	[sflag:s1] =	ssyncset.done $0x0  }
0xab: {  	s17 =	sadd.s32 $0x78, s17;
	[sflag:s1] =	ssyncadd.s32 $0xFFFF63C0  }
0xac: {  	[tilespmem:s28], [sflag:$0x2] =	stream.indirect.gather [hbm4b:s3+s25], $0x3E8, s17, s25, $0xb8;
	[tilespmem:$0x151B8] =	vst v63  }
0xad: {  	s22 =	sadd.s32 $0x1388, s21;
	s21 =	sadd.s32 $0x2710, s21  }
0xae: {  	[hbm4b:s22+s2] =	stream.linear.scatter [tilespmem:s26], [sflag:$0x3], $0x9C40, $0x38;
	[tilespmem:$0x151B8] =	vst v63  }
0xaf: {  	_ =	swait.ge [sflag:s30], $0x9C40  }
0xb0: {  	[sflag:s30] =	ssyncset.done $0x0  }
0xb1: {  	[sflag:s30] =	ssyncadd.s32 $0xFFFF63C0  }
0xb2: {  	_ =	swait.ge [sflag:s31], $0x9C40  }
0xb3: {  	[sflag:s31] =	ssyncset.done $0x0  }
0xb4: {  	s20 =	simm.s32 $0x0;
	[sflag:s31] =	ssyncadd.s32 $0xFFFF63C0  }
0xb5: {  	[hbm4b:s9+s20] =	stream.linear.scatter [tilespmem:s28], [sflag:$0x4], $0x9C40, $0x38;
	[tilespmem:$0x151B8] =	vst v63  }
0xb6: {  	_ =	swait.ge [sflag:s1], $0x9C40  }
0xb7: {  	[sflag:s1] =	ssyncset.done $0x0  }
0xb8: {  	[sflag:s1] =	ssyncadd.s32 $0xFFFF63C0  }
0xb9: {  	_ =	swait.ge [sflag:s0], $0x50  }
0xba: {  	[sflag:s0] =	ssyncset.done $0x0  }
0xbb: {  	[sflag:s0] =	ssyncadd.s32 $0xFFFFFFB0  }
0xbc: {  	_ =	swait.ge [sflag:s16], $0x50  }
0xbd: {  	[sflag:s16] =	ssyncset.done $0x0  }
0xbe: {  	[sflag:s16] =	ssyncadd.s32 $0xFFFFFFB0  }
0xbf: {  	_ =	swait.ge [sflag:s0], $0x50  }
0xc0: {  	[sflag:s0] =	ssyncset.done $0x0  }
0xc1: {  	[sflag:s0] =	ssyncadd.s32 $0xFFFFFFB0  }
0xc2: {  	_ =	swait.ge [sflag:s16], $0x50  }
0xc3: {  	[sflag:s16] =	ssyncset.done $0x0  }
0xc4: {  	[sflag:s16] =	ssyncadd.s32 $0xFFFFFFB0  }
0xc5: {  	_ =	swait.ge [sflag:s0], $0x50  }
0xc6: {  	[sflag:s0] =	ssyncset.done $0x0  }
0xc7: {  	[sflag:s0] =	ssyncadd.s32 $0xFFFFFFB0  }
0xc8: {  	_ =	swait.ge [sflag:s16], $0x50  }
0xc9: {  	[sflag:s16] =	ssyncset.done $0x0  }
0xca: {  	[sflag:s16] =	ssyncadd.s32 $0xFFFFFFB0  }
0xcb: {  	_ =	swait.ge [sflag:s0], $0x50  }
0xcc: {  	[sflag:s0] =	ssyncset.done $0x0  }
0xcd: {  	[sflag:s0] =	ssyncadd.s32 $0xFFFFFFB0  }
0xce: {  	_ =	swait.ge [sflag:s16], $0x50  }
0xcf: {  	[sflag:s16] =	ssyncset.done $0x0  }
0xd0: {  	[sflag:s16] =	ssyncadd.s32 $0xFFFFFFB0  }
0xd1: {  	_ =	swait.ge [sflag:s0], $0x50  }
0xd2: {  	[sflag:s0] =	ssyncset.done $0x0  }
0xd3: {  	[sflag:s0] =	ssyncadd.s32 $0xFFFFFFB0  }
0xd4: {  	_ =	swait.ge [sflag:s16], $0x50  }
0xd5: {  	[sflag:s16] =	ssyncset.done $0x0  }
0xd6: {  	[sflag:s16] =	ssyncadd.s32 $0xFFFFFFB0  }
0xd7: {  	_ =	swait.ge [sflag:s0], $0x50  }
0xd8: {  	[sflag:s0] =	ssyncset.done $0x0  }
0xd9: {  	[sflag:s0] =	ssyncadd.s32 $0xFFFFFFB0  }
0xda: {  	_ =	swait.ge [sflag:s16], $0x50  }
0xdb: {  	[sflag:s16] =	ssyncset.done $0x0  }
0xdc: {  	[sflag:s16] =	ssyncadd.s32 $0xFFFFFFB0  }
0xdd: {  	_ =	swait.ge [sflag:s0], $0x50  }
0xde: {  	[sflag:s0] =	ssyncset.done $0x0  }
0xdf: {  	[sflag:s0] =	ssyncadd.s32 $0xFFFFFFB0  }
0xe0: {  	_ =	swait.ge [sflag:s16], $0x50  }
0xe1: {  	[sflag:s16] =	ssyncset.done $0x0  }
0xe2: {  	[sflag:s16] =	ssyncadd.s32 $0xFFFFFFB0  }
0xe3: {  	_ =	swait.ge [sflag:s0], $0x50  }
0xe4: {  	[sflag:s0] =	ssyncset.done $0x0  }
0xe5: {  	[sflag:s0] =	ssyncadd.s32 $0xFFFFFFB0  }
0xe6: {  	_ =	swait.ge [sflag:s16], $0x50  }
0xe7: {  	[sflag:s16] =	ssyncset.done $0x0  }
0xe8: {  	[sflag:s16] =	ssyncadd.s32 $0xFFFFFFB0  }
0xe9: {  	_ =	swait.ge [sflag:s0], $0x50  }
0xea: {  	[sflag:s0] =	ssyncset.done $0x0  }
0xeb: {  	[sflag:s0] =	ssyncadd.s32 $0xFFFFFFB0  }
0xec: {  	_ =	swait.ge [sflag:s16], $0x50  }
0xed: {  	[sflag:s16] =	ssyncset.done $0x0  }
0xee: {  	[sflag:s16] =	ssyncadd.s32 $0xFFFFFFB0  }
0xef: {  	_ =	swait.ge [sflag:s0], $0x50  }
0xf0: {  	[sflag:s0] =	ssyncset.done $0x0  }
0xf1: {  	[sflag:s0] =	ssyncadd.s32 $0xFFFFFFB0  }
0xf2: {  	_ =	swait.ge [sflag:s16], $0x50  }
0xf3: {  	[sflag:s16] =	ssyncset.done $0x0  }
0xf4: {  	[sflag:s16] =	ssyncadd.s32 $0xFFFFFFB0  }
0xf5: {  	_ =	swait.ge [sflag:s0], $0x50  }
0xf6: {  	[sflag:s0] =	ssyncset.done $0x0  }
0xf7: {  	[sflag:s0] =	ssyncadd.s32 $0xFFFFFFB0  }
0xf8: {  	_ =	swait.ge [sflag:s16], $0x50  }
0xf9: {  	[sflag:s16] =	ssyncset.done $0x0  }
0xfa: {  	[sflag:s16] =	ssyncadd.s32 $0xFFFFFFB0  }
0xfb: {  	_ =	swait.ge [sflag:s0], $0x50  }
0xfc: {  	[sflag:s0] =	ssyncset.done $0x0  }
0xfd: {  	[sflag:s0] =	ssyncadd.s32 $0xFFFFFFB0  }
0xfe: {  	_ =	swait.ge [sflag:s16], $0x50  }
0xff: {  	[sflag:s16] =	ssyncset.done $0x0  }
0x100: {  	[sflag:s16] =	ssyncadd.s32 $0xFFFFFFB0  }
0x101: {  	_ =	swait.ge [sflag:s0], $0x50  }
0x102: {  	[sflag:s0] =	ssyncset.done $0x0  }
0x103: {  	[sflag:s0] =	ssyncadd.s32 $0xFFFFFFB0  }
0x104: {  	_ =	swait.ge [sflag:s16], $0x50  }
0x105: {  	[sflag:s16] =	ssyncset.done $0x0  }
0x106: {  	[sflag:s16] =	ssyncadd.s32 $0xFFFFFFB0  }
0x107: {  	_ =	swait.ge [sflag:s0], $0x50  }
0x108: {  	[sflag:s0] =	ssyncset.done $0x0  }
0x109: {  	[sflag:s0] =	ssyncadd.s32 $0xFFFFFFB0  }
0x10a: {  	_ =	swait.ge [sflag:s16], $0x50  }
0x10b: {  	[sflag:s16] =	ssyncset.done $0x0  }
0x10c: {  	[sflag:s16] =	ssyncadd.s32 $0xFFFFFFB0  }
0x10d: {  	_ =	swait.ge [sflag:s0], $0x50  }
0x10e: {  	[sflag:s0] =	ssyncset.done $0x0  }
0x10f: {  	[sflag:s0] =	ssyncadd.s32 $0xFFFFFFB0  }
0x110: {  	_ =	swait.ge [sflag:s16], $0x50  }
0x111: {  	[sflag:s16] =	ssyncset.done $0x0  }
0x112: {  	[sflag:s16] =	ssyncadd.s32 $0xFFFFFFB0  }
0x113: {  	_ =	swait.ge [sflag:s0], $0x50  }
0x114: {  	[sflag:s0] =	ssyncset.done $0x0  }
0x115: {  	[sflag:s0] =	ssyncadd.s32 $0xFFFFFFB0  }
0x116: {  	_ =	swait.ge [sflag:s16], $0x50  }
0x117: {  	[sflag:s16] =	ssyncset.done $0x0  }
0x118: {  	[sflag:s16] =	ssyncadd.s32 $0xFFFFFFB0  }
0x119: {  	_ =	swait.ge [sflag:s0], $0x50  }
0x11a: {  	[sflag:s0] =	ssyncset.done $0x0  }
0x11b: {  	[sflag:s0] =	ssyncadd.s32 $0xFFFFFFB0  }
0x11c: {  	_ =	swait.ge [sflag:s16], $0x50  }
0x11d: {  	[sflag:s16] =	ssyncset.done $0x0  }
0x11e: {  	[sflag:s16] =	ssyncadd.s32 $0xFFFFFFB0  }
0x11f: {  	_ =	swait.ge [sflag:s0], $0x50  }
0x120: {  	[sflag:s0] =	ssyncset.done $0x0  }
0x121: {  	[sflag:s0] =	ssyncadd.s32 $0xFFFFFFB0  }
0x122: {  	_ =	swait.ge [sflag:s16], $0x50  }
0x123: {  	[sflag:s16] =	ssyncset.done $0x0  }
0x124: {  	[sflag:s16] =	ssyncadd.s32 $0xFFFFFFB0  }
0x125: {  	_ =	swait.ge [sflag:s0], $0x50  }
0x126: {  	[sflag:s0] =	ssyncset.done $0x0  }
0x127: {  	[sflag:s0] =	ssyncadd.s32 $0xFFFFFFB0  }
0x128: {  	_ =	swait.ge [sflag:s16], $0x50  }
0x129: {  	[sflag:s16] =	ssyncset.done $0x0  }
0x12a: {  	[sflag:s16] =	ssyncadd.s32 $0xFFFFFFB0  }
0x12b: {  	_ =	swait.ge [sflag:s0], $0x50  }
0x12c: {  	[sflag:s0] =	ssyncset.done $0x0  }
0x12d: {  	[sflag:s0] =	ssyncadd.s32 $0xFFFFFFB0  }
0x12e: {  	_ =	swait.ge [sflag:s16], $0x50  }
0x12f: {  	[sflag:s16] =	ssyncset.done $0x0  }
0x130: {  	s17 =	simm.s32 $0x14B40;
	[sflag:s16] =	ssyncadd.s32 $0xFFFFFFB0  }
0x131: {  	s21 =	simm.s32 $0x14500;
	v3 =	vld [tilespmem:s17+$0x0]  }
0x132: {  	s23 =	sand.u32 $0x7FE, s20;
	v4 =	vld [tilespmem:s21+$0x0]  }
0x133: {  	v5 =	vld.msk [tilespmem:s23+$0x14B70], $0x3  }
0x134: {  	v8 =	vld.msk [tilespmem:s23+$0x14530], $0x3  }
0x135: {  	v1 =	vld [tilespmem:s23+$0x14B50]  }
0x136: {  	v0 =	vld [tilespmem:s23+$0x14B60]  }
0x137: {  	v7 =	vld [tilespmem:s23+$0x14510]  }
0x138: {  	s20 =	simm.s32 $0x14B72;
	v6 =	vld [tilespmem:s23+$0x14520]  }
0x139: {  	s24 =	simm.s32 $0x32;
	v2 =	vld [tilespmem:s20+$0x0];
	s21 =	simm.s32 $0x14532;
	v3 =	vsub.f32 v3, v4;
	v9 =	vsub.f32 v5, v8  }
0x13a: {  	s22 =	sand.u32 $0x7FE, s24;
	v10 =	vld [tilespmem:s21+$0x0];
	v4 =	vimm.f32 $0.0e+00  }
0x13b: {  	s23 =	simm.s32 $0x64;
	v8 =	vld.msk [tilespmem:s22+$0x14B70], $0x3;
	v5 =	vadd.f32 v3, v4;
	v3 =	vadd.f32 v9, v4;
	v9 =	vimm.f32 $0.0e+00  }
.LBB2_6:
0x13c: {  	p0 =	sne.s32 s23, $0x60E;
	v11 =	vld.msk [tilespmem:s22+$0x14530], $0x3;
	v7 =	vsub.f32 v1, v7  }
0x13d: {  	v1 =	vld [tilespmem:s22+$0x14B50];
	v6 =	vsub.f32 v0, v6  }
0x13e: {  	v0 =	vld [tilespmem:s22+$0x14B60];
	v4 =	vadd.f32 v7, v4  }
.Ltmp2:
0x13f: {  	v7 =	vld [tilespmem:s22+$0x14510];
	v9 =	vadd.f32 v6, v9;
	(pc) =	sbr.rel @p0 .LBB2_6-.Ltmp2, $4  }
0x140: {  	s20 =	sadd.s32 $0x32, s20;
	v6 =	vld [tilespmem:s22+$0x14520]  }
0x141: {  	s21 =	sadd.s32 $0x32, s21;
	v12 =	vsub.f32 v2, v10;
	v2 =	vld [tilespmem:s20+$0x0];
	v11 =	vsub.f32 v8, v11  }
0x142: {  	s22 =	sand.u32 $0x7FE, s23;
	v10 =	vld [tilespmem:s21+$0x0]  }
0x143: {  	s23 =	sadd.s32 $0x32, s23;
	v5 =	vadd.f32 v12, v5;
	v8 =	vld.msk [tilespmem:s22+$0x14B70], $0x3;
	v3 =	vadd.f32 v11, v3  }
0x144: {  	v11 =	vld [tilespmem:s22+$0x14B50]  }
0x145: {  	v12 =	vld [tilespmem:s22+$0x14B60]  }
0x146: {  	v13 =	vld [tilespmem:s22+$0x14510]  }
0x147: {  	v14 =	vld [tilespmem:s22+$0x14520]  }
0x148: {  	v1 =	vsub.f32 v1, v7;
	v59 =	vld.msk [tilespmem:s22+$0x14530], $0x3  }
0x149: {  	v0 =	vsub.f32 v0, v6  }
0x14a: {  	v1 =	vadd.f32 v1, v4;
	v2 =	vsub.f32 v2, v10  }
0x14b: {  	v0 =	vadd.f32 v0, v9;
	v60 =	vsub.f32 v11, v13  }
0x14c: {  	v2 =	vadd.f32 v2, v5;
	v61 =	vsub.f32 v12, v14  }
0x14d: {  	v62 =	vsub.f32 v8, v59;
	v1 =	vadd.f32 v60, v1  }
0x14e: {  	v0 =	vadd.f32 v61, v0;
	[tilespmem:$0x15180] =	vst v2  }
0x14f: {  	s19 =	sadd.s32 $0x1, s19;
	v63 =	vadd.f32 v62, v3;
	[tilespmem:$0x15190] =	vst v1  }
0x150: {  	s17 =	simm.s32 $0x151B0;
	p0 =	sne.s32 s19, s11;
	[tilespmem:$0x151A0] =	vst v0  }
.Ltmp3:
0x151: {  	[tilespmem:s17+$0x0] =	vst.msk $0x3, v63;
	(pc) =	sbr.rel @p0 .LBB2_1-.Ltmp3, $4  }
0x152: {  	[hbm4b:s10+s2] =	stream.linear.scatter [tilespmem:s18], [sflag:$0x7], $0x38, $0x38;
	[tilespmem:$0x151B8] =	vst v63  }
0x153: {  	_ =	swait.ge [sflag:s13], $0x38  }
0x154: {  	[sflag:s13] =	ssyncset.done $0x0  }
0x155: {  	[sflag:s13] =	ssyncadd.s32 $0xFFFFFFC8  }
0x156: {  	_ =	sfence.sel $0x180000  }
0x157: {  	[bflag:$0x0] =	sbarrier.arrive $0xFFFF  }
0x158: {  	_ =	strace $0x90000047  }
0x159: {  	s0 =	stileid.u32;
	[bflag:$0x2] =	sbarrier.arrive $0xFFFF  }
0x15a: {  	p0 =	sne.s32 s0, $0x0;
	s0 =	rddreg [dreg:$0x2]  }
0x15b: {  	s0 =	sadd.s32 @!p0 $0x100000, s0  }
0x15c: {  	[sflag:s0] =	ssyncadd.tile.s32 @!p0 $0x1;
	_ =	shalt  }
.Lfunc_end2:
_tile_overlayer_lowered:
.L_overlay_start_2:
0x15d: {  	(tag) =	ssettag $0x2  }
0x15e: {  	s0 =	rddreg [dreg:$0x0];
	s2 =	stileid.u32  }
0x15f: {  	s1 =	rddreg [dreg:$0x1];
	p0 =	sne.s32 s2, $0x0  }
0x160: {  	s3 =	rddreg [dreg:$0x2];
	[bflag:$0x3] =	sbarrier.arrive $0xFFFF;
	s2 =	simm.s32 @!p0 $0x1C07  }
0x161: {  	[timem:s3], [sflag:s2] =	dma.local @!p0 [hbm:s0], s1  }
0x162: {  	s0 =	simm.s32 @!p0 $0x7  }
0x163: {  	_ =	swait.ge @!p0 [sflag:s0], s1  }
0x164: {  	s1 =	ssub.s32 @!p0 $0x0, s1;
	[sflag:s0] =	ssyncset.done @!p0 $0x0  }
0x165: {  	[sflag:s0] =	ssyncadd.s32 @!p0 s1  }
0x166: {  	[bflag:$0x3] =	sbarrier.arrive $0xFFFF  }
0x167: {  	_ =	shalt  }

// kernel: sparse-core-data-format-call.cloned.1.call-start
scs
called_computation_lowered:
.L_overlay_start_0:
0x0: {  	s2 =	sld [smem:$0x3FD9]  }
0x1: {  	s3 =	sld [smem:$0x3FFE];
	_ =	sdelay $0x1  }
0x2: {  	s1 =	srdreg.scid  }
0x3: {  	s0 =	sand.u32 $0x1, s1  }
0x4: {  	s15 =	sshll.u32 s0, $0xA;
	s2 =	sadd.s32 s3, s2  }
0x5: {  	s2 =	sadd.s32 s2, s15  }
0x6: {  	[smem:$0x3FC5] =	sst s2  }
0x7: {  	_ = 	snop  }
0x8: {  	s2 =	sld [smem:$0x3FD0];
	_ =	sdelay $0x2  }
0x9: {  	s16 =	simm.s32 $0xA;
	s4 =	simm.s32 $0x10  }
0xa: {  	[smem:s4], [sflag:s16] =	dma.local [hbm:s2], $0x1  }
0xb: {  	_ =	swait.eq [sflag:s16], $0x1  }
0xc: {  	[sflag:s16] =	ssyncset.done $0x0  }
0xd: {  	[sflag:s16] =	ssyncadd.s32 $0xFFFFFFFF  }
0xe: {  	s17 =	sld [smem:$0x10];
	(tm) =	ssettm $0x1  }
0xf: {  	s18 =	sld [smem:$0x3FFB];
	_ =	sdelay $0x3  }
0x10: {  	_ =	strace s18  }
0x11: {  	s3 =	sld [smem:$0x3FFC];
	_ =	sdelay $0x3  }
0x12: {  	_ =	strace s3  }
0x13: {  	s3 =	sld [smem:$0x3FFD];
	_ =	sdelay $0x3  }
0x14: {  	_ =	strace s3  }
0x15: {  	_ =	strace $0x8FFFFFFF  }
0x16: {  	s19 =	sld [smem:$0x3FDB];
	_ =	sdelay $0x1  }
0x17: {  	s20 =	simm.s32 $_scs_section_size  }
0x18: {  	s5 =	simm.s32 $_size__tile_overlayer_lowered;
	s6 =	simm.s32 $_tile_overlayer_lowered  }
0x19: {  	s23 =	simm.s32 $0x1BFF;
	s22 =	sshll.u32 s6, $0x1;
	s3 =	sadd.s32 s20, s19  }
0x1a: {  	s7 =	simm.s32 $0x0;
	s21 =	sshll.u32 s5, $0x1;
	s5 =	sadd.s32 s22, s3  }
0x1b: {  	[timem:s7], [sflag:s23] =	dma.local [hbm:s5], s21  }
0x1c: {  	_ =	swait.ge [sflag:s23], s21  }
0x1d: {  	s4 =	ssub.s32 $0x0, s21;
	[sflag:s23] =	ssyncset.done $0x0  }
0x1e: {  	[sflag:s23] =	ssyncadd.s32 s4;
	_ =	sdelay $0x1  }
0x1f: {  	s24 =	simm.s32 $0x1B8B  }
0x20: {  	_ =	swait.ge [sflag:s24], $0x1  }
0x21: {  	[sflag:s24] =	ssyncset.done $0x0  }
0x22: {  	s26 =	simm.s32 $0x1B8E;
	s25 =	sld [smem:$0x3FFE];
	[sflag:s24] =	ssyncadd.s32 $0xFFFFFFFF  }
0x23: {  	s27 =	simm.s32 $execute0_lowered;
	[smem:$0x3FD2] =	sst s26  }
0x24: {  	s5 =	sshll.u32 s27, $0x1;
	_ =	strace $0x80000049;
	[dreg:$0x1] =	wrdreg $0xFFFFFFFF  }
0x25: {  	s28 =	simm.s32 $_size_execute0_lowered;
	s3 =	sadd.s32 s3, s5;
	[dreg:$0x0] =	wrdreg $0x0  }
0x26: {  	s5 =	sshll.u32 s28, $0x1;
	[dreg:$0x2] =	wrdreg s3  }
0x27: {  	[dreg:$0x3] =	wrdreg s5  }
0x28: {  	[dreg:$0x4] =	wrdreg $0xC0  }
0x29: {  	_ =	task [dreg:s7], $0x5FFFF  }
0x2a: {  	[dreg:$0x1] =	wrdreg $0xFFFFFFFF  }
0x2b: {  	[dreg:$0x0] =	wrdreg $0x60  }
0x2c: {  	[dreg:$0x2] =	wrdreg s25  }
0x2d: {  	[dreg:$0x3] =	wrdreg s17  }
0x2e: {  	[dreg:$0x4] =	wrdreg $0x9  }
0x2f: {  	_ =	task.clear_ibuf [dreg:s7], $0x5FFFF;
	_ =	strace $0x90000049  }
0x30: {  	s29 =	simm.s32 $0x9;
	_ =	strace $0x8000004B  }
0x31: {  	_ =	swait.ge [sflag:s29], $0x1  }
0x32: {  	[sflag:s29] =	ssyncadd.s32 $0xFFFFFFFF  }
0x33: {  	_ =	strace $0x9000004B  }
0x34: {  	_ =	sfence  }
0x35: {  	s30 =	sld [smem:$0x0];
	_ =	sdelay $0x2  }
0x36: {  	s31 =	sshll.u32 s1, $0xD;
	s1 =	sshrl.u32 s1, $0x2  }
0x37: {  	s3 =	sand.u32 $0x4000, s31;
	s1 =	sadd.s32 s1, s30  }
0x38: {  	s0 =	sor.u32 s3, s0;
	s1 =	sshll.u32 s1, $0x11  }
0x39: {  	s0 =	sor.u32 s1, s0  }
0x3a: {  	s0 =	sadd.s32 $0x8F2B, s0  }
0x3b: {  	[sflag:s0] =	ssyncadd.remote.s32 $0x1  }
0x3c: {  	_ =	sfence.sel $0xFFFF  }
0x3d: {  	[dreg:$0x0] =	wrdreg $0xFFFFFFFF;
	(pc) =	sbr.abs _section_cstart, $3  }
0x3e: {  	[dreg:$0x1] =	wrdreg $0xFFFFFFFF  }
0x3f: {  	_ =	task.clear_ibuf [dreg:s7], $0x2FFFF;
	_ =	strace $0x9FFFFFFF  }
0x40: {  	(tm) =	ssettm $0x7FFFFFFF  }
0x41: {  	_ =	shalt  }
tec
execute0_lowered:
.L_overlay_start_1:
0x0: {  	(tag) =	ssettag $0x1  }
0x1: {  	s4 =	rddreg [dreg:$0x0]  }
0x2: {  	s0 =	stileid.u32;
	s2 =	rddreg [dreg:$0x1]  }
0x3: {  	s7 =	srdreg.scid;
	s31 =	simm.s32 $0x2;
	s17 =	simm.s32 $0x0  }
0x4: {  	s9 =	simm.s32 $0x2000;
	s19 =	simm.s32 $0x0;
	s18 =	simm.s32 $0x0  }
0x5: {  	s10 =	simm.s32 $0x0;
	s11 =	simm.s32 $0x0;
	s1 =	sshll.u32 s0, $0x7  }
0x6: {  	s12 =	simm.s32 $0x0;
	s14 =	simm.s32 $0x0;
	s3 =	sand.u32 $0x380, s1  }
0x7: {  	s16 =	simm.s32 $0x0;
	s4 =	sadd.s32 $0x42400, s4;
	s5 =	ssub.s32 $0x400, s3  }
0x8: {  	s8 =	sshll.u32 s0, $0x4;
	s7 =	sshll.u32 s7, $0x8;
	s6 =	sand.u32 $0x380, s5  }
0x9: {  	s1 =	rddreg [dreg:$0x2];
	p0 =	sne.s32 s6, $0x0;
	s6 =	simm.s32 $0x1  }
.Ltmp0:
0xa: {  	s5 =	sshrl.u32 s5, $0xA;
	s6 =	simm.s32 @!p0 $0x0;
	(pc) =	sbr.rel .LBB1_1-.Ltmp0, $4  }
0xb: {  	_ =	strace $0x8000004A;
	s7 =	sor.u32 s8, s7;
	s6 =	sadd.s32 s6, s5  }
0xc: {  	s7 =	sand.u32 $0x180, s7;
	s5 =	simm.s32 $0x1;
	s6 =	smul.u32 $0x64, s6  }
0xd: {  	s15 =	smov.u32 s3;
	s13 =	smov.u32 s7;
	[sflag:s5] =	ssyncpa.u1 $0x0  }
0xe: {  	p0 =	por $0x0, $0x0;
	[sflag:s31] =	ssyncpa.u1 $0x0;
	s8 =	sor.u32 $0x1, s6  }
.LBB1_4:
0xf: {  	s25 =	sshll.u32 s10, $0xA;
	s24 =	sshra.s32 s24, $0x2;
	s26 =	sshll.u32 s12, $0x3  }
0x10: {  	p1 =	sgt.s32 s11, $0x31;
	s27 =	smov.u32 s11;
	s28 =	sshra.s32 s11, $0x1F  }
0x11: {  	p2 =	sgt.s32 s12, $0x380;
	s31 =	sshra.s32 s12, $0x1F;
	s25 =	sand.u32 $0xFFFFE000, s25  }
0x12: {  	s26 =	sand.u32 $0xFFFFFC00, s26;
	s27 =	simm.s32 @!p1 $0x31;
	s28 =	sand.u32 s28, s11  }
0x13: {  	[tilespmem:s22+$0x2040 ss:$0x81] =	vst.msk $0xffff, v4;
	s23 =	sadd.s32 s24, s23;
	s29 =	sadd.s32 s26, s25;
	s25 =	ssub.s32 s27, s28  }
0x14: {  	[tilespmem:s22+$0x2850 ss:$0x81] =	vst.msk $0xffff, v3;
	s27 =	smov.u32 s12;
	s28 =	smov.u32 s10;
	s26 =	sand.u32 s31, s12  }
0x15: {  	[tilespmem:s22+$0x3060 ss:$0x81] =	vst.msk $0xffff, v2;
	s24 =	sshrl.u32 s29, $0xA;
	s30 =	sadd.s32 $0xFFFFFFCF, s25;
	s27 =	simm.s32 @!p2 $0x380  }
0x16: {  	v5 =	vld [tilespmem:s21+$0xFFFFFFD0];
	[tilespmem:s22+$0x0 ss:$0x81] =	vst.msk $0xffff, v1;
	p2 =	sgt.s32 s10, $0x368;
	s29 =	sshra.s32 s10, $0x1F;
	s22 =	ssub.s32 $0x32, s25  }
0x17: {  	v58 =	vld [tilespmem:s21+$0xFFFFFFE0];
	p1 =	sgt.s32 s30, $0x0;
	s28 =	simm.s32 @!p2 $0x368;
	s29 =	sand.u32 s29, s10  }
0x18: {  	v59 =	vld [tilespmem:s21+$0xFFFFFFF0];
	s26 =	ssub.s32 s27, s26;
	s27 =	smulhi.u32 $0x418938, s24;
	s28 =	ssub.s32 s28, s29  }
0x19: {  	v60 =	vld [tilespmem:s21+$0x0];
	s30 =	sadd.s32 $0xFFFFFC80, s26;
	s25 =	ssub.s32 $0x400, s26;
	s22 =	simm.s32 @p1 $0x0  }
0x1a: {  	v61 =	vld [tilespmem:s21+$0x10];
	[tilespmem:s23+$0x3870 ss:$0x81] =	vst.msk $0xffff, v0;
	s29 =	sand.u32 $0x78, s12;
	p2 =	sgt.s32 s30, $0x7F;
	s31 =	sadd.s32 $0xFFFFFC98, s28  }
0x1b: {  	v62 =	vld [tilespmem:s21+$0x20];
	[tilespmem:s23+$0x810 ss:$0x81] =	vst.msk $0xffff, v5;
	s27 =	smul.u32 $0x3E8, s27;
	s30 =	sshll.u32 s10, $0x7;
	s28 =	ssub.s32 $0x3E8, s28  }
0x1c: {  	v63 =	vld [tilespmem:s21+$0xFFFFFFC0];
	[tilespmem:s23+$0x1020 ss:$0x81] =	vst.msk $0xffff, v58;
	s25 =	simm.s32 @p2 $0x0;
	p1 =	sgt.s32 s31, $0x7F;
	s31 =	smul.u32 $0x1F400, s11  }
0x1d: {  	[tilespmem:s23+$0x1830 ss:$0x81] =	vst.msk $0xffff, v59;
	s21 =	sand.u32 $0x380, s30;
	s22 =	smul.u32 s25, s22;
	s28 =	simm.s32 @p1 $0x0  }
0x1e: {  	[tilespmem:s23+$0x2040 ss:$0x81] =	vst.msk $0xffff, v60;
	s21 =	sor.u32 s29, s21;
	s24 =	ssub.s32 s24, s27;
	s29 =	sand.u32 $0x7, s12  }
0x1f: {  	[tilespmem:s23+$0x2850 ss:$0x81] =	vst.msk $0xffff, v61;
	s21 =	sshrl.u32 s21, $0x3;
	s25 =	sadd.s32 s2, s31;
	s22 =	smul.u32 s28, s22  }
0x20: {  	[tilespmem:s23+$0x3060 ss:$0x81] =	vst.msk $0xffff, v62;
	s24 =	sshll.u32 s24, $0x7;
	s30 =	sshll.u32 s29, $0x12;
	s21 =	sadd.s32 s21, s25  }
0x21: {  	[tilespmem:s23+$0x0 ss:$0x81] =	vst.msk $0xffff, v63;
	s31 =	sor.u32 $0x400, s30;
	s21 =	sadd.s32 s24, s21;
	s22 =	sand.u32 $0x3FFFFFFF, s22  }
0x22: {  	[hbm4b:s21+s31] =	stream.strided.scatter [tilespmem:s20], [sflag:$0x2], s22, s9, s31, $0x20;
	[tilespmem:$0x10100] =	vst v63  }
.LBB1_5:
0x23: {  	p1 =	slt.u32 s16, $0x2  }
0x24: {  	p2 =	sgt.s32 @!p1 s19, $0x31  }
0x25: {  	s20 =	smov.u32 s19;
	s21 =	sshra.s32 @!p1 s19, $0x1F;
	p2 =	por !p2, p1  }
0x26: {  	s19 =	sand.u32 @!p1 s21, s19;
	s20 =	simm.s32 @p2 $0x31  }
0x27: {  	p3 =	sgt.s32 @!p1 s17, $0x368;
	s19 =	ssub.s32 @!p1 s20, s19  }
0x28: {  	p4 =	sgt.s32 @!p1 s18, $0x380;
	s22 =	sshra.s32 @!p1 s18, $0x1F;
	s20 =	sadd.s32 @!p1 $0xFFFFFFCF, s19  }
0x29: {  	s21 =	smov.u32 s17;
	p2 =	sgt.s32 @!p1 s20, $0x0;
	s20 =	sshra.s32 @!p1 s17, $0x1F  }
0x2a: {  	p4 =	por !p4, p1;
	s17 =	sand.u32 @!p1 s20, s17;
	s20 =	smov.u32 s18  }
0x2b: {  	p3 =	por !p3, p1;
	s18 =	sand.u32 @!p1 s22, s18;
	s20 =	simm.s32 @p4 $0x380  }
0x2c: {  	s21 =	simm.s32 @p3 $0x368;
	s19 =	ssub.s32 @!p1 $0x32, s19;
	s18 =	ssub.s32 @!p1 s20, s18  }
0x2d: {  	p2 =	por !p2, p1;
	s17 =	ssub.s32 @!p1 s21, s17;
	s21 =	sadd.s32 @!p1 $0xFFFFFC80, s18  }
0x2e: {  	s19 =	simm.s32 @!p2 $0x0;
	p3 =	sgt.s32 @!p1 s21, $0x7F  }
0x2f: {  	s20 =	sadd.s32 @!p1 $0xFFFFFC98, s17;
	s18 =	ssub.s32 @!p1 $0x400, s18;
	p3 =	por !p3, p1  }
0x30: {  	p2 =	sgt.s32 @!p1 s20, $0x7F;
	s20 =	sadd.s32 $0x200, s13;
	s18 =	simm.s32 @!p3 $0x0  }
0x31: {  	p3 =	sgt.s32 s20, $0x3E7;
	s18 =	smul.u32 @!p1 s18, s19;
	s19 =	simm.s32 $0x1  }
0x32: {  	s17 =	ssub.s32 @!p1 $0x3E8, s17;
	p2 =	por !p2, p1;
	s19 =	simm.s32 @!p3 $0x0  }
0x33: {  	s22 =	smov.u32 s15;
	s17 =	simm.s32 @!p2 $0x0;
	s21 =	sadd.s32 s19, s14  }
0x34: {  	s17 =	smul.u32 @!p1 s17, s18;
	s18 =	sadd.s32 $0x400, s15;
	p2 =	sgt.s32 s21, $0x31  }
0x35: {  	p0 =	por !p0, !p0;
	s23 =	simm.s32 @!p1 $0x2;
	s22 =	smov.u32 @p2 s18  }
0x36: {  	s20 =	smov.u32 @p3 s7;
	s21 =	simm.s32 @p2 $0x0;
	p2 =	sgt.s32 s22, $0x3FF  }
0x37: {  	s19 =	smov.u32 s11;
	s22 =	smov.u32 @p2 s3;
	p2 =	sne.s32 s16, s8  }
.Ltmp1:
0x38: {  	s11 =	smov.u32 s14;
	s17 =	sand.u32 @!p1 $0x3FFFFFFF, s17;
	(pc) =	sbr.rel @!p2 .LBB1_6-.Ltmp1, $4  }
0x39: {  	s18 =	smov.u32 s12;
	s12 =	smov.u32 s15;
	_ =	swait.ge @!p1 [sflag:s23], s17  }
0x3a: {  	s24 =	ssub.s32 @!p1 $0x0, s17;
	s17 =	smov.u32 s10;
	s10 =	smov.u32 s13  }
0x3b: {  	s13 =	smov.u32 s20;
	s14 =	smov.u32 s21;
	[sflag:s23] =	ssyncset.done @!p1 $0x0  }
0x3c: {  	s16 =	sadd.s32 $0x1, s16;
	[sflag:s23] =	ssyncadd.s32 @!p1 s24;
	s15 =	smov.u32 s22  }
.LBB1_1:
0x3d: {  	p1 =	sge.u32 s16, s6  }
0x3e: {  	s20 =	sshll.u32 @!p1 s14, $0xA  }
0x3f: {  	s21 =	sshll.u32 @!p1 s13, $0x3;
	s20 =	sand.u32 @!p1 $0xFFFFE000, s20  }
0x40: {  	s20 =	sadd.s32 @!p1 s20, s21  }
0x41: {  	s20 =	sshrl.u32 @!p1 s20, $0xA  }
0x42: {  	s21 =	smulhi.u32 @!p1 $0x4924925, s20  }
0x43: {  	s22 =	sshll.u32 @!p1 s14, $0x7;
	s24 =	smul.u32 @!p1 $0x1C00, s15  }
0x44: {  	s23 =	sand.u32 @!p1 $0x78, s13;
	s22 =	sand.u32 @!p1 $0x380, s22;
	s21 =	smul.u32 @!p1 $0x38, s21  }
0x45: {  	s31 =	sadd.s32 $0xFFFFFFFF, s16;
	s22 =	sor.u32 @!p1 s23, s22;
	s23 =	sadd.s32 @!p1 s4, s24  }
0x46: {  	s22 =	sshrl.u32 @!p1 s22, $0x3;
	s20 =	ssub.s32 @!p1 s20, s21;
	s21 =	sxor.u32 @!p1 $0xFFFFFFFF, s16  }
0x47: {  	s22 =	sadd.s32 @!p1 s22, s23;
	s23 =	sand.u32 @!p1 $0x7, s13;
	s21 =	sshll.u32 @!p1 s21, $0xE  }
0x48: {  	s23 =	sshll.u32 @!p1 s23, $0x12;
	s20 =	sshll.u32 @!p1 s20, $0x7;
	s21 =	sand.u32 @!p1 $0x4000, s21  }
0x49: {  	s20 =	sadd.s32 @!p1 s20, s22;
	s22 =	sor.u32 @!p1 $0x80, s23;
	s23 =	simm.s32 @!p1 $0xE000  }
0x4a: {  	[tilespmem:s21], [sflag:$0x1] =	stream.strided.gather @!p1 [hbm4b:s20+s22], $0x4000, s23, s22, $0x38;
	[tilespmem:$0x10100] =	vst v63  }
0x4b: {  	p1 =	sge.u32 s31, s6  }
.Ltmp2:
0x4c: {  	_ = 	snop;
	(pc) =	sbr.rel @p1 .LBB1_5-.Ltmp2, $1  }
0x4d: {  	_ =	sdelay $0x3  }
0x4e: {  	s20 =	simm.s32 $0x1  }
0x4f: {  	_ =	swait.ge [sflag:s5], $0x4000;
	s20 =	simm.s32 @!p0 $0x0  }
0x50: {  	[sflag:s5] =	ssyncset.done $0x0;
	s21 =	sshll.u32 s20, $0xE  }
0x51: {  	[sflag:s5] =	ssyncadd.s32 $0xFFFFC000;
	s21 =	sor.u32 $0x40, s21  }
0x52: {  	s20 =	smul.u32 $0x10200, s20;
	v0 =	vld [tilespmem:s21+$0x30]  }
0x53: {  	v1 =	vld [tilespmem:s21+$0xFFFFFFD0]  }
0x54: {  	s20 =	sshrl.u32 s20, $0x2;
	v5 =	vld [tilespmem:s21+$0xFFFFFFE0]  }
0x55: {  	v6 =	vld [tilespmem:s21+$0xFFFFFFF0];
	s23 =	sor.u32 $0x8000, s20  }
0x56: {  	s31 =	sand.u32 $0x1, s16;
	v4 =	vld [tilespmem:s21+$0x0];
	s22 =	sadd.s32 $0x0, s23  }
0x57: {  	v3 =	vld [tilespmem:s21+$0x10];
	s20 =	smul.u32 $0x10200, s31;
	[tilespmem:s22+$0x3870 ss:$0x81] =	vst.msk $0xffff, v0  }
0x58: {  	v2 =	vld [tilespmem:s21+$0x20];
	[tilespmem:s22+$0x810 ss:$0x81] =	vst.msk $0xffff, v1  }
0x59: {  	s20 =	sshrl.u32 s20, $0x2;
	v1 =	vld [tilespmem:s21+$0xFFFFFFC0];
	[tilespmem:s22+$0x1020 ss:$0x81] =	vst.msk $0xffff, v5;
	s21 =	sadd.s32 $0x80, s21  }
0x5a: {  	s24 =	simm.s32 $0x4;
	s25 =	simm.s32 $0x8;
	s20 =	sor.u32 $0x8000, s20;
	[tilespmem:s22+$0x1830 ss:$0x81] =	vst.msk $0xffff, v6;
	v0 =	vld [tilespmem:s21+$0x30]  }
.LBB1_3:
0x5b: {  	p1 =	sne.s32 s25, $0x1FC;
	v5 =	vld [tilespmem:s21+$0xFFFFFFD0];
	[tilespmem:s22+$0x2040 ss:$0x81] =	vst.msk $0xffff, v4  }
0x5c: {  	v6 =	vld [tilespmem:s21+$0xFFFFFFE0];
	[tilespmem:s22+$0x2850 ss:$0x81] =	vst.msk $0xffff, v3  }
0x5d: {  	s26 =	sshra.s32 s24, $0x2;
	s24 =	smov.u32 s25;
	v7 =	vld [tilespmem:s21+$0xFFFFFFF0];
	[tilespmem:s22+$0x3060 ss:$0x81] =	vst.msk $0xffff, v2  }
.Ltmp3:
0x5e: {  	v4 =	vld [tilespmem:s21+$0x0];
	[tilespmem:s22+$0x0 ss:$0x81] =	vst.msk $0xffff, v1;
	s22 =	sadd.s32 s26, s23;
	(pc) =	sbr.rel @p1 .LBB1_3-.Ltmp3, $4  }
0x5f: {  	v3 =	vld [tilespmem:s21+$0x10];
	[tilespmem:s22+$0x3870 ss:$0x81] =	vst.msk $0xffff, v0  }
0x60: {  	[tilespmem:s22+$0x810 ss:$0x81] =	vst.msk $0xffff, v5;
	v2 =	vld [tilespmem:s21+$0x20]  }
0x61: {  	v1 =	vld [tilespmem:s21+$0xFFFFFFC0];
	[tilespmem:s22+$0x1020 ss:$0x81] =	vst.msk $0xffff, v6;
	s21 =	sadd.s32 $0x80, s21  }
0x62: {  	s25 =	sadd.s32 $0x4, s25;
	v0 =	vld [tilespmem:s21+$0x30];
	[tilespmem:s22+$0x1830 ss:$0x81] =	vst.msk $0xffff, v7  }
.Ltmp4:
0x63: {  	_ = 	snop;
	(pc) =	sbr.rel .LBB1_4-.Ltmp4, $1  }
0x64: {  	_ =	sdelay $0x3  }
.LBB1_6:
0x65: {  	_ =	sfence.sel $0x180000  }
0x66: {  	s2 =	simm.s32 $0x1;
	[bflag:$0x0] =	sbarrier.arrive $0xFFFF  }
0x67: {  	s31 =	simm.s32 $0x2;
	[sflag:s2] =	ssyncpa.u1 $0x1  }
0x68: {  	[sflag:s31] =	ssyncpa.u1 $0x1  }
0x69: {  	p0 =	sne.s32 s0, $0x0;
	_ =	strace $0x9000004A  }
0x6a: {  	s0 =	sadd.s32 @!p0 $0x100000, s1;
	[bflag:$0x2] =	sbarrier.arrive $0xFFFF  }
0x6b: {  	[sflag:s0] =	ssyncadd.tile.s32 @!p0 $0x1;
	_ =	shalt  }
.Lfunc_end1:
_tile_overlayer_lowered:
.L_overlay_start_2:
0x6c: {  	(tag) =	ssettag $0x2  }
0x6d: {  	s0 =	rddreg [dreg:$0x0];
	s2 =	stileid.u32  }
0x6e: {  	s1 =	rddreg [dreg:$0x1];
	p0 =	sne.s32 s2, $0x0  }
0x6f: {  	s3 =	rddreg [dreg:$0x2];
	[bflag:$0x3] =	sbarrier.arrive $0xFFFF;
	s2 =	simm.s32 @!p0 $0x1C01  }
0x70: {  	[timem:s3], [sflag:s2] =	dma.local @!p0 [hbm:s0], s1  }
0x71: {  	s0 =	simm.s32 @!p0 $0x1  }
0x72: {  	_ =	swait.ge @!p0 [sflag:s0], s1  }
0x73: {  	s1 =	ssub.s32 @!p0 $0x0, s1;
	[sflag:s0] =	ssyncset.done @!p0 $0x0  }
0x74: {  	[sflag:s0] =	ssyncadd.s32 @!p0 s1  }
0x75: {  	[bflag:$0x3] =	sbarrier.arrive $0xFFFF  }
0x76: {  	_ =	shalt  }

</sc_bundles>
